<compile_context>
chip_gen: v7x
topology: tpu7x:2x2x1
jax: 0.10.2.dev20260603
libtpu: 0.0.44.dev20260713+nightly
codegen_flags: <defaults>
</compile_context>

<pallas_src>
import functools

import jax
import jax.numpy as jnp
from jax import lax
from jax.experimental import pallas as pl
from jax.experimental.pallas import tpu as pltpu
from jax.experimental.pallas import tpu_sc as plsc

_IDX_CHUNK = 128
_PACK = 4
_NBUF = 4


def _sc_gather3(W4, V4, iu, ib, iw, bpw, n_chunks):
    D = W4.shape[1]
    B = iu.shape[0] * _IDX_CHUNK
    mesh = plsc.VectorSubcoreMesh(core_axis_name="c", subcore_axis_name="s")
    info = plsc.get_sparse_core_info()
    NC = info.num_cores

    out_t = (jax.ShapeDtypeStruct((B, D), jnp.float32),) * 3
    scratch_t = (
        [pltpu.VMEM((n_chunks, _IDX_CHUNK), jnp.int32)] * 3
        + [pltpu.VMEM((_IDX_CHUNK, D), jnp.float32)] * _NBUF
        + [pltpu.SemaphoreType.DMA] * _NBUF
        + [pltpu.SemaphoreType.DMA] * _NBUF
    )

    @functools.partial(pl.kernel, mesh=mesh, out_type=out_t,
                       scratch_types=scratch_t)
    def k(w_hbm, v_hbm, iu_hbm, ib_hbm, iw_hbm, ou_hbm, ob_hbm, ow_hbm,
          iu_v, ib_v, iw_v, *rs):
        bufs = rs[:_NBUF]
        gsems = rs[_NBUF:2 * _NBUF]
        wsems = rs[2 * _NBUF:]
        wid = lax.axis_index("s") * NC + lax.axis_index("c")
        ibase = wid * n_chunks
        base = wid * bpw
        pltpu.sync_copy(iu_hbm.at[pl.ds(ibase, n_chunks)], iu_v)
        pltpu.sync_copy(ib_hbm.at[pl.ds(ibase, n_chunks)], ib_v)
        pltpu.sync_copy(iw_hbm.at[pl.ds(ibase, n_chunks)], iw_v)
        tabs = (w_hbm, v_hbm, v_hbm)
        idxs = (iu_v, ib_v, iw_v)
        outs = (ou_hbm, ob_hbm, ow_hbm)
        q = 0
        pending = [None] * _NBUF
        for t in range(3):
            for c in range(n_chunks):
                b = q % _NBUF
                if pending[b] is not None:
                    pltpu.make_async_copy(bufs[b], pending[b], wsems[b]).wait()
                pltpu.async_copy(tabs[t].at[idxs[t].at[c]], bufs[b], gsems[b])
                pltpu.make_async_copy(
                    tabs[t].at[idxs[t].at[c]], bufs[b], gsems[b]).wait()
                dst = outs[t].at[pl.ds(base + c * _IDX_CHUNK, _IDX_CHUNK)]
                pltpu.async_copy(bufs[b], dst, wsems[b])
                pending[b] = dst
                q += 1
        for b in range(_NBUF):
            if pending[b] is not None:
                pltpu.make_async_copy(bufs[b], pending[b], wsems[b]).wait()

    return k(W4, V4, iu, ib, iw)


def _tc_pack4(WT, RB):
    K, N = WT.shape
    grid = (N + _PACK * RB - 1) // (_PACK * RB)

    def body(in_ref, out_ref):
        krow = lax.broadcasted_iota(jnp.int32, (K, _PACK * K), 0)
        ncol = lax.broadcasted_iota(jnp.int32, (K, _PACK * K), 1)
        acc = None
        for a in range(_PACK):
            sel = (ncol == K * a + krow).astype(jnp.float32)
            part = lax.dot_general(in_ref[:, a * RB:(a + 1) * RB], sel,
                                   (((0,), (0,)), ((), ())),
                                   preferred_element_type=jnp.float32)
            acc = part if acc is None else acc + part
        out_ref[...] = acc

    return pl.pallas_call(
        body,
        grid=(grid,),
        in_specs=[pl.BlockSpec((K, _PACK * RB), lambda i: (0, i))],
        out_specs=pl.BlockSpec((RB, _PACK * K), lambda i: (i, 0)),
        out_shape=jax.ShapeDtypeStruct((grid * RB, _PACK * K), jnp.float32),
    )(WT)


def _tc_outer_t(gu, gb, gw, mu, mb, mw, K, BB):
    B, D = gu.shape
    KK = K * K

    def body(gu_ref, gb_ref, gw_ref, mu_ref, mb_ref, mw_ref, fb_ref, fw_ref):
        def pick(g_ref, m_ref):
            m = m_ref[...]
            acc = jnp.where(m == 0, g_ref[:, 0:K], 0.0)
            for s in range(1, _PACK):
                acc += jnp.where(m == s, g_ref[:, s * K:(s + 1) * K], 0.0)
            return acc

        row = lax.broadcasted_iota(jnp.int32, (KK, K), 0)
        col = lax.broadcasted_iota(jnp.int32, (KK, K), 1)
        rep_m = (row // K == col).astype(jnp.float32)
        til_m = (row % K == col).astype(jnp.float32)
        dn = (((1,), (1,)), ((), ()))
        rep = lax.dot_general(rep_m, pick(gu_ref, mu_ref), dn,
                              preferred_element_type=jnp.float32)
        fb_ref[...] = rep * lax.dot_general(til_m, pick(gb_ref, mb_ref), dn,
                                            preferred_element_type=jnp.float32)
        fw_ref[...] = rep * lax.dot_general(til_m, pick(gw_ref, mw_ref), dn,
                                            preferred_element_type=jnp.float32)

    g_spec = pl.BlockSpec((BB, D), lambda i: (i, 0))
    m_spec = pl.BlockSpec((BB, 1), lambda i: (i, 0))
    out_spec = pl.BlockSpec((KK, BB), lambda i: (0, i))
    return pl.pallas_call(
        body,
        grid=(B // BB,),
        in_specs=[g_spec] * 3 + [m_spec] * 3,
        out_specs=[out_spec, out_spec],
        out_shape=[jax.ShapeDtypeStruct((KK, B), jnp.float32)] * 2,
    )(gu, gb, gw, mu, mb, mw)


def kernel(input_user, best_movie, worst_movie, W, V):
    B = input_user.shape[0]
    N, K = W.shape
    iu = input_user.reshape(B).astype(jnp.int32)
    ib = best_movie.reshape(B).astype(jnp.int32)
    iw = worst_movie.reshape(B).astype(jnp.int32)

    RB = 8192
    W4 = _tc_pack4(W.T, RB=RB)
    V4 = _tc_pack4(V.T, RB=RB)
    rows = lambda i: ((i // (_PACK * RB)) * RB
                      + i % RB).reshape(B // _IDX_CHUNK, _IDX_CHUNK)
    mods = lambda i: ((i // RB) % _PACK).reshape(B, 1)

    info = plsc.get_sparse_core_info()
    nw = info.num_cores * info.num_subcores
    bpw = B // nw
    n_chunks = bpw // _IDX_CHUNK

    gu, gb, gw = _sc_gather3(W4, V4, rows(iu), rows(ib), rows(iw),
                             bpw, n_chunks)
    fbT, fwT = _tc_outer_t(gu, gb, gw, mods(iu), mods(ib), mods(iw),
                           K, BB=512)
    fb = fbT.reshape(K, K, B).transpose(2, 0, 1)
    fw = fwT.reshape(K, K, B).transpose(2, 0, 1)
    return fb, fw

# --- scband reference (transcript-rebuilt; emitter-appended) ---
"""Pipeline reference for scband-movielens-model-45861660786859 (READ-ONLY COPY).

The authoritative reference and input builder live on the scoring server;
editing this copy changes nothing except your own understanding.
"""

import jax, jax.numpy as jnp
import numpy as np

NUM_USERS = 1000000
NUM_MOVIES = 1000000
K = 32
BATCH = 16384
L = 1

def setup_inputs(seed: int = 0) -> dict:
    key = jax.random.key(seed)
    k1, k2, k3, k4, k5 = jax.random.split(key, 5)
    input_user = jax.random.randint(k1, (BATCH, L), 0, NUM_USERS, dtype=jnp.int64 if jax.config.read('jax_enable_x64') else jnp.int32)
    best_movie = jax.random.randint(k2, (BATCH, L), 0, NUM_MOVIES, dtype=input_user.dtype)
    worst_movie = jax.random.randint(k3, (BATCH, L), 0, NUM_MOVIES, dtype=input_user.dtype)
    W = jax.random.normal(k4, (NUM_USERS, K), dtype=jnp.float32) * 0.05
    V = jax.random.normal(k5, (NUM_MOVIES, K), dtype=jnp.float32) * 0.05
    return {"input_user": input_user, "best_movie": best_movie, "worst_movie": worst_movie, "W": W, "V": V}

def reference(input_user, best_movie, worst_movie, W, V):
    # Embedding lookups (gather)
    Wu = jnp.take(W, input_user, axis=0)   # [B, L, K]
    Vb = jnp.take(V, best_movie, axis=0)   # [B, L, K]
    Vw = jnp.take(V, worst_movie, axis=0)  # [B, L, K]
    # keras.layers.Dot(axes=1) on [B, L, K] inputs contracts axis 1 -> [B, K, K]
    f_best = jnp.einsum('bli,blj->bij', Wu, Vb)
    f_worst = jnp.einsum('bli,blj->bij', Wu, Vw)
    return (f_best, f_worst)

if __name__ == "__main__":
    import jax
    _d = setup_inputs()
    print(jax.jit(kernel)(*tuple(_d.values())))

</pallas_src>

<mosaic_0001>
#map = affine_map<(d0, d1) -> (0, 0)>
module attributes {stable_mosaic.version = 14 : i64} {
  func.func @k(%arg0: i32, %arg1: i32, %arg2: memref<253952x128xf32, #tpu.memory_space<hbm>>, %arg3: memref<253952x128xf32, #tpu.memory_space<hbm>>, %arg4: memref<128x128xi32, #tpu.memory_space<hbm>>, %arg5: memref<128x128xi32, #tpu.memory_space<hbm>>, %arg6: memref<128x128xi32, #tpu.memory_space<hbm>>, %arg7: memref<16384x128xf32, #tpu.memory_space<hbm>>, %arg8: memref<16384x128xf32, #tpu.memory_space<hbm>>, %arg9: memref<16384x128xf32, #tpu.memory_space<hbm>>, %arg10: memref<4x128xi32, #tpu.memory_space<vmem>>, %arg11: memref<4x128xi32, #tpu.memory_space<vmem>>, %arg12: memref<4x128xi32, #tpu.memory_space<vmem>>, %arg13: memref<128x128xf32, #tpu.memory_space<vmem>>, %arg14: memref<128x128xf32, #tpu.memory_space<vmem>>, %arg15: memref<128x128xf32, #tpu.memory_space<vmem>>, %arg16: memref<128x128xf32, #tpu.memory_space<vmem>>, %arg17: memref<!tpu.dma_semaphore, #tpu.memory_space<semaphore_mem>>, %arg18: memref<!tpu.dma_semaphore, #tpu.memory_space<semaphore_mem>>, %arg19: memref<!tpu.dma_semaphore, #tpu.memory_space<semaphore_mem>>, %arg20: memref<!tpu.dma_semaphore, #tpu.memory_space<semaphore_mem>>, %arg21: memref<!tpu.dma_semaphore, #tpu.memory_space<semaphore_mem>>, %arg22: memref<!tpu.dma_semaphore, #tpu.memory_space<semaphore_mem>>, %arg23: memref<!tpu.dma_semaphore, #tpu.memory_space<semaphore_mem>>, %arg24: memref<!tpu.dma_semaphore, #tpu.memory_space<semaphore_mem>>) attributes {dimension_semantics = [#tpu.dimension_semantics<core_parallel>, #tpu.dimension_semantics<subcore_parallel>], iteration_bounds = array<i64: 2, 16>, scalar_prefetch = 0 : i64, scratch_operands = 15 : i64, tpu.core_type = #tpu.core_type<sc_vector_subcore>, window_params = [{transform_indices = #map}, {transform_indices = #map}, {transform_indices = #map}, {transform_indices = #map}, {transform_indices = #map}, {transform_indices = #map}, {transform_indices = #map}, {transform_indices = #map}]} {
    %mul3A = arith.constant 2 : i32
    %mul3A_0 = arith.muli %arg1, %mul3A : i32
    %add3A = arith.addi %mul3A_0, %arg0 : i32
    %mul3A_1 = arith.constant 4 : i32
    %mul3A_2 = arith.muli %add3A, %mul3A_1 : i32
    %mul3A_3 = arith.constant 512 : i32
    %mul3A_4 = arith.muli %add3A, %mul3A_3 : i32
    "tpu.region"() ({
      %run_scoped3A = tpu.sem_alloc : memref<!tpu.dma_semaphore, #tpu.memory_space<semaphore_mem>>
      %dma_start3A_291 = arith.constant 0 : i32
      %dma_start3A_292 = tpu.memref_slice %arg4[%mul3A_2, %dma_start3A_291] : memref<128x128xi32, #tpu.memory_space<hbm>> -> memref<4x128xi32, #tpu.memory_space<hbm>>
      %dma_start3A_293 = arith.constant 0 : i32
      %dma_start3A_294 = tpu.memref_slice %arg4[%mul3A_2, %dma_start3A_293] : memref<128x128xi32, #tpu.memory_space<hbm>> -> memref<4x128xi32, #tpu.memory_space<hbm>>
      tpu.enqueue_dma source(%dma_start3A_294 : memref<4x128xi32, #tpu.memory_space<hbm>>) target(%arg10 : memref<4x128xi32, #tpu.memory_space<vmem>>) target_semaphore(%run_scoped3A : memref<!tpu.dma_semaphore, #tpu.memory_space<semaphore_mem>>)
      %dma_wait3A_295 = arith.constant 0 : i32
      %dma_wait3A_296 = tpu.memref_slice %arg4[%mul3A_2, %dma_wait3A_295] : memref<128x128xi32, #tpu.memory_space<hbm>> -> memref<4x128xi32, #tpu.memory_space<hbm>>
      %dma_wait3A_297 = arith.constant 0 : i32
      %dma_wait3A_298 = tpu.memref_slice %arg4[%mul3A_2, %dma_wait3A_297] : memref<128x128xi32, #tpu.memory_space<hbm>> -> memref<4x128xi32, #tpu.memory_space<hbm>>
      tpu.wait_dma2 semaphore(%run_scoped3A : memref<!tpu.dma_semaphore, #tpu.memory_space<semaphore_mem>>) src(%dma_wait3A_298 : memref<4x128xi32, #tpu.memory_space<hbm>>) dst(%arg10 : memref<4x128xi32, #tpu.memory_space<vmem>>)
      tpu.yield
    }) : () -> ()
    "tpu.region"() ({
      %run_scoped3A = tpu.sem_alloc : memref<!tpu.dma_semaphore, #tpu.memory_space<semaphore_mem>>
      %dma_start3A_291 = arith.constant 0 : i32
      %dma_start3A_292 = tpu.memref_slice %arg5[%mul3A_2, %dma_start3A_291] : memref<128x128xi32, #tpu.memory_space<hbm>> -> memref<4x128xi32, #tpu.memory_space<hbm>>
      %dma_start3A_293 = arith.constant 0 : i32
      %dma_start3A_294 = tpu.memref_slice %arg5[%mul3A_2, %dma_start3A_293] : memref<128x128xi32, #tpu.memory_space<hbm>> -> memref<4x128xi32, #tpu.memory_space<hbm>>
      tpu.enqueue_dma source(%dma_start3A_294 : memref<4x128xi32, #tpu.memory_space<hbm>>) target(%arg11 : memref<4x128xi32, #tpu.memory_space<vmem>>) target_semaphore(%run_scoped3A : memref<!tpu.dma_semaphore, #tpu.memory_space<semaphore_mem>>)
      %dma_wait3A_295 = arith.constant 0 : i32
      %dma_wait3A_296 = tpu.memref_slice %arg5[%mul3A_2, %dma_wait3A_295] : memref<128x128xi32, #tpu.memory_space<hbm>> -> memref<4x128xi32, #tpu.memory_space<hbm>>
      %dma_wait3A_297 = arith.constant 0 : i32
      %dma_wait3A_298 = tpu.memref_slice %arg5[%mul3A_2, %dma_wait3A_297] : memref<128x128xi32, #tpu.memory_space<hbm>> -> memref<4x128xi32, #tpu.memory_space<hbm>>
      tpu.wait_dma2 semaphore(%run_scoped3A : memref<!tpu.dma_semaphore, #tpu.memory_space<semaphore_mem>>) src(%dma_wait3A_298 : memref<4x128xi32, #tpu.memory_space<hbm>>) dst(%arg11 : memref<4x128xi32, #tpu.memory_space<vmem>>)
      tpu.yield
    }) : () -> ()
    "tpu.region"() ({
      %run_scoped3A = tpu.sem_alloc : memref<!tpu.dma_semaphore, #tpu.memory_space<semaphore_mem>>
      %dma_start3A_291 = arith.constant 0 : i32
      %dma_start3A_292 = tpu.memref_slice %arg6[%mul3A_2, %dma_start3A_291] : memref<128x128xi32, #tpu.memory_space<hbm>> -> memref<4x128xi32, #tpu.memory_space<hbm>>
      %dma_start3A_293 = arith.constant 0 : i32
      %dma_start3A_294 = tpu.memref_slice %arg6[%mul3A_2, %dma_start3A_293] : memref<128x128xi32, #tpu.memory_space<hbm>> -> memref<4x128xi32, #tpu.memory_space<hbm>>
      tpu.enqueue_dma source(%dma_start3A_294 : memref<4x128xi32, #tpu.memory_space<hbm>>) target(%arg12 : memref<4x128xi32, #tpu.memory_space<vmem>>) target_semaphore(%run_scoped3A : memref<!tpu.dma_semaphore, #tpu.memory_space<semaphore_mem>>)
      %dma_wait3A_295 = arith.constant 0 : i32
      %dma_wait3A_296 = tpu.memref_slice %arg6[%mul3A_2, %dma_wait3A_295] : memref<128x128xi32, #tpu.memory_space<hbm>> -> memref<4x128xi32, #tpu.memory_space<hbm>>
      %dma_wait3A_297 = arith.constant 0 : i32
      %dma_wait3A_298 = tpu.memref_slice %arg6[%mul3A_2, %dma_wait3A_297] : memref<128x128xi32, #tpu.memory_space<hbm>> -> memref<4x128xi32, #tpu.memory_space<hbm>>
      tpu.wait_dma2 semaphore(%run_scoped3A : memref<!tpu.dma_semaphore, #tpu.memory_space<semaphore_mem>>) src(%dma_wait3A_298 : memref<4x128xi32, #tpu.memory_space<hbm>>) dst(%arg12 : memref<4x128xi32, #tpu.memory_space<vmem>>)
      tpu.yield
    }) : () -> ()
    %dma_start3A = arith.constant 0 : i32
    %dma_start3A_5 = arith.constant 0 : i32
    %dma_start3A_6 = tpu.memref_slice %arg10[%dma_start3A, %dma_start3A_5] : memref<4x128xi32, #tpu.memory_space<vmem>> -> memref<1x128xi32, #tpu.memory_space<vmem>>
    %dma_start3A_7 = tpu.memref_squeeze %dma_start3A_6 : memref<1x128xi32, #tpu.memory_space<vmem>> -> memref<128xi32, #tpu.memory_space<vmem>>
    %dma_start3A_8 = arith.constant 0 : i32
    %dma_start3A_9 = arith.constant 0 : i32
    %dma_start3A_10 = tpu.memref_slice %arg2[%dma_start3A_8, %dma_start3A_9] : memref<253952x128xf32, #tpu.memory_space<hbm>> -> memref<253952x128xf32, #tpu.memory_space<hbm>>
    tpu.enqueue_indirect_dma source(%dma_start3A_10 : memref<253952x128xf32, #tpu.memory_space<hbm>>) target(%arg13 : memref<128x128xf32, #tpu.memory_space<vmem>>) offsets(%dma_start3A_7 : memref<128xi32, #tpu.memory_space<vmem>>) semaphore(%arg17 : memref<!tpu.dma_semaphore, #tpu.memory_space<semaphore_mem>>)
    %dma_wait3A = arith.constant 0 : i32
    %dma_wait3A_11 = arith.constant 0 : i32
    %dma_wait3A_12 = tpu.memref_slice %arg10[%dma_wait3A, %dma_wait3A_11] : memref<4x128xi32, #tpu.memory_space<vmem>> -> memref<1x128xi32, #tpu.memory_space<vmem>>
    %dma_wait3A_13 = tpu.memref_squeeze %dma_wait3A_12 : memref<1x128xi32, #tpu.memory_space<vmem>> -> memref<128xi32, #tpu.memory_space<vmem>>
    %dma_wait3A_14 = arith.constant 0 : i32
    %dma_wait3A_15 = arith.constant 0 : i32
    %dma_wait3A_16 = tpu.memref_slice %arg2[%dma_wait3A_14, %dma_wait3A_15] : memref<253952x128xf32, #tpu.memory_space<hbm>> -> memref<253952x128xf32, #tpu.memory_space<hbm>>
    tpu.wait_indirect_dma semaphore(%arg17 : memref<!tpu.dma_semaphore, #tpu.memory_space<semaphore_mem>>) src(%dma_wait3A_16 : memref<253952x128xf32, #tpu.memory_space<hbm>>) dst(%arg13 : memref<128x128xf32, #tpu.memory_space<vmem>>)
    %add3A_17 = arith.constant 0 : i32
    %add3A_18 = arith.addi %mul3A_4, %add3A_17 : i32
    %dma_start3A_19 = arith.constant 0 : i32
    %dma_start3A_20 = tpu.memref_slice %arg7[%add3A_18, %dma_start3A_19] : memref<16384x128xf32, #tpu.memory_space<hbm>> -> memref<128x128xf32, #tpu.memory_space<hbm>>
    %dma_start3A_21 = arith.constant 0 : i32
    %dma_start3A_22 = tpu.memref_slice %arg7[%add3A_18, %dma_start3A_21] : memref<16384x128xf32, #tpu.memory_space<hbm>> -> memref<128x128xf32, #tpu.memory_space<hbm>>
    tpu.enqueue_dma source(%arg13 : memref<128x128xf32, #tpu.memory_space<vmem>>) target(%dma_start3A_22 : memref<128x128xf32, #tpu.memory_space<hbm>>) target_semaphore(%arg21 : memref<!tpu.dma_semaphore, #tpu.memory_space<semaphore_mem>>)
    %dma_start3A_23 = arith.constant 1 : i32
    %dma_start3A_24 = arith.constant 0 : i32
    %dma_start3A_25 = tpu.memref_slice %arg10[%dma_start3A_23, %dma_start3A_24] : memref<4x128xi32, #tpu.memory_space<vmem>> -> memref<1x128xi32, #tpu.memory_space<vmem>>
    %dma_start3A_26 = tpu.memref_squeeze %dma_start3A_25 : memref<1x128xi32, #tpu.memory_space<vmem>> -> memref<128xi32, #tpu.memory_space<vmem>>
    %dma_start3A_27 = arith.constant 0 : i32
    %dma_start3A_28 = arith.constant 0 : i32
    %dma_start3A_29 = tpu.memref_slice %arg2[%dma_start3A_27, %dma_start3A_28] : memref<253952x128xf32, #tpu.memory_space<hbm>> -> memref<253952x128xf32, #tpu.memory_space<hbm>>
    tpu.enqueue_indirect_dma source(%dma_start3A_29 : memref<253952x128xf32, #tpu.memory_space<hbm>>) target(%arg14 : memref<128x128xf32, #tpu.memory_space<vmem>>) offsets(%dma_start3A_26 : memref<128xi32, #tpu.memory_space<vmem>>) semaphore(%arg18 : memref<!tpu.dma_semaphore, #tpu.memory_space<semaphore_mem>>)
    %dma_wait3A_30 = arith.constant 1 : i32
    %dma_wait3A_31 = arith.constant 0 : i32
    %dma_wait3A_32 = tpu.memref_slice %arg10[%dma_wait3A_30, %dma_wait3A_31] : memref<4x128xi32, #tpu.memory_space<vmem>> -> memref<1x128xi32, #tpu.memory_space<vmem>>
    %dma_wait3A_33 = tpu.memref_squeeze %dma_wait3A_32 : memref<1x128xi32, #tpu.memory_space<vmem>> -> memref<128xi32, #tpu.memory_space<vmem>>
    %dma_wait3A_34 = arith.constant 0 : i32
    %dma_wait3A_35 = arith.constant 0 : i32
    %dma_wait3A_36 = tpu.memref_slice %arg2[%dma_wait3A_34, %dma_wait3A_35] : memref<253952x128xf32, #tpu.memory_space<hbm>> -> memref<253952x128xf32, #tpu.memory_space<hbm>>
    tpu.wait_indirect_dma semaphore(%arg18 : memref<!tpu.dma_semaphore, #tpu.memory_space<semaphore_mem>>) src(%dma_wait3A_36 : memref<253952x128xf32, #tpu.memory_space<hbm>>) dst(%arg14 : memref<128x128xf32, #tpu.memory_space<vmem>>)
    %add3A_37 = arith.constant 128 : i32
    %add3A_38 = arith.addi %mul3A_4, %add3A_37 : i32
    %dma_start3A_39 = arith.constant 0 : i32
    %dma_start3A_40 = tpu.memref_slice %arg7[%add3A_38, %dma_start3A_39] : memref<16384x128xf32, #tpu.memory_space<hbm>> -> memref<128x128xf32, #tpu.memory_space<hbm>>
    %dma_start3A_41 = arith.constant 0 : i32
    %dma_start3A_42 = tpu.memref_slice %arg7[%add3A_38, %dma_start3A_41] : memref<16384x128xf32, #tpu.memory_space<hbm>> -> memref<128x128xf32, #tpu.memory_space<hbm>>
    tpu.enqueue_dma source(%arg14 : memref<128x128xf32, #tpu.memory_space<vmem>>) target(%dma_start3A_42 : memref<128x128xf32, #tpu.memory_space<hbm>>) target_semaphore(%arg22 : memref<!tpu.dma_semaphore, #tpu.memory_space<semaphore_mem>>)
    %dma_start3A_43 = arith.constant 2 : i32
    %dma_start3A_44 = arith.constant 0 : i32
    %dma_start3A_45 = tpu.memref_slice %arg10[%dma_start3A_43, %dma_start3A_44] : memref<4x128xi32, #tpu.memory_space<vmem>> -> memref<1x128xi32, #tpu.memory_space<vmem>>
    %dma_start3A_46 = tpu.memref_squeeze %dma_start3A_45 : memref<1x128xi32, #tpu.memory_space<vmem>> -> memref<128xi32, #tpu.memory_space<vmem>>
    %dma_start3A_47 = arith.constant 0 : i32
    %dma_start3A_48 = arith.constant 0 : i32
    %dma_start3A_49 = tpu.memref_slice %arg2[%dma_start3A_47, %dma_start3A_48] : memref<253952x128xf32, #tpu.memory_space<hbm>> -> memref<253952x128xf32, #tpu.memory_space<hbm>>
    tpu.enqueue_indirect_dma source(%dma_start3A_49 : memref<253952x128xf32, #tpu.memory_space<hbm>>) target(%arg15 : memref<128x128xf32, #tpu.memory_space<vmem>>) offsets(%dma_start3A_46 : memref<128xi32, #tpu.memory_space<vmem>>) semaphore(%arg19 : memref<!tpu.dma_semaphore, #tpu.memory_space<semaphore_mem>>)
    %dma_wait3A_50 = arith.constant 2 : i32
    %dma_wait3A_51 = arith.constant 0 : i32
    %dma_wait3A_52 = tpu.memref_slice %arg10[%dma_wait3A_50, %dma_wait3A_51] : memref<4x128xi32, #tpu.memory_space<vmem>> -> memref<1x128xi32, #tpu.memory_space<vmem>>
    %dma_wait3A_53 = tpu.memref_squeeze %dma_wait3A_52 : memref<1x128xi32, #tpu.memory_space<vmem>> -> memref<128xi32, #tpu.memory_space<vmem>>
    %dma_wait3A_54 = arith.constant 0 : i32
    %dma_wait3A_55 = arith.constant 0 : i32
    %dma_wait3A_56 = tpu.memref_slice %arg2[%dma_wait3A_54, %dma_wait3A_55] : memref<253952x128xf32, #tpu.memory_space<hbm>> -> memref<253952x128xf32, #tpu.memory_space<hbm>>
    tpu.wait_indirect_dma semaphore(%arg19 : memref<!tpu.dma_semaphore, #tpu.memory_space<semaphore_mem>>) src(%dma_wait3A_56 : memref<253952x128xf32, #tpu.memory_space<hbm>>) dst(%arg15 : memref<128x128xf32, #tpu.memory_space<vmem>>)
    %add3A_57 = arith.constant 256 : i32
    %add3A_58 = arith.addi %mul3A_4, %add3A_57 : i32
    %dma_start3A_59 = arith.constant 0 : i32
    %dma_start3A_60 = tpu.memref_slice %arg7[%add3A_58, %dma_start3A_59] : memref<16384x128xf32, #tpu.memory_space<hbm>> -> memref<128x128xf32, #tpu.memory_space<hbm>>
    %dma_start3A_61 = arith.constant 0 : i32
    %dma_start3A_62 = tpu.memref_slice %arg7[%add3A_58, %dma_start3A_61] : memref<16384x128xf32, #tpu.memory_space<hbm>> -> memref<128x128xf32, #tpu.memory_space<hbm>>
    tpu.enqueue_dma source(%arg15 : memref<128x128xf32, #tpu.memory_space<vmem>>) target(%dma_start3A_62 : memref<128x128xf32, #tpu.memory_space<hbm>>) target_semaphore(%arg23 : memref<!tpu.dma_semaphore, #tpu.memory_space<semaphore_mem>>)
    %dma_start3A_63 = arith.constant 3 : i32
    %dma_start3A_64 = arith.constant 0 : i32
    %dma_start3A_65 = tpu.memref_slice %arg10[%dma_start3A_63, %dma_start3A_64] : memref<4x128xi32, #tpu.memory_space<vmem>> -> memref<1x128xi32, #tpu.memory_space<vmem>>
    %dma_start3A_66 = tpu.memref_squeeze %dma_start3A_65 : memref<1x128xi32, #tpu.memory_space<vmem>> -> memref<128xi32, #tpu.memory_space<vmem>>
    %dma_start3A_67 = arith.constant 0 : i32
    %dma_start3A_68 = arith.constant 0 : i32
    %dma_start3A_69 = tpu.memref_slice %arg2[%dma_start3A_67, %dma_start3A_68] : memref<253952x128xf32, #tpu.memory_space<hbm>> -> memref<253952x128xf32, #tpu.memory_space<hbm>>
    tpu.enqueue_indirect_dma source(%dma_start3A_69 : memref<253952x128xf32, #tpu.memory_space<hbm>>) target(%arg16 : memref<128x128xf32, #tpu.memory_space<vmem>>) offsets(%dma_start3A_66 : memref<128xi32, #tpu.memory_space<vmem>>) semaphore(%arg20 : memref<!tpu.dma_semaphore, #tpu.memory_space<semaphore_mem>>)
    %dma_wait3A_70 = arith.constant 3 : i32
    %dma_wait3A_71 = arith.constant 0 : i32
    %dma_wait3A_72 = tpu.memref_slice %arg10[%dma_wait3A_70, %dma_wait3A_71] : memref<4x128xi32, #tpu.memory_space<vmem>> -> memref<1x128xi32, #tpu.memory_space<vmem>>
    %dma_wait3A_73 = tpu.memref_squeeze %dma_wait3A_72 : memref<1x128xi32, #tpu.memory_space<vmem>> -> memref<128xi32, #tpu.memory_space<vmem>>
    %dma_wait3A_74 = arith.constant 0 : i32
    %dma_wait3A_75 = arith.constant 0 : i32
    %dma_wait3A_76 = tpu.memref_slice %arg2[%dma_wait3A_74, %dma_wait3A_75] : memref<253952x128xf32, #tpu.memory_space<hbm>> -> memref<253952x128xf32, #tpu.memory_space<hbm>>
    tpu.wait_indirect_dma semaphore(%arg20 : memref<!tpu.dma_semaphore, #tpu.memory_space<semaphore_mem>>) src(%dma_wait3A_76 : memref<253952x128xf32, #tpu.memory_space<hbm>>) dst(%arg16 : memref<128x128xf32, #tpu.memory_space<vmem>>)
    %add3A_77 = arith.constant 384 : i32
    %add3A_78 = arith.addi %mul3A_4, %add3A_77 : i32
    %dma_start3A_79 = arith.constant 0 : i32
    %dma_start3A_80 = tpu.memref_slice %arg7[%add3A_78, %dma_start3A_79] : memref<16384x128xf32, #tpu.memory_space<hbm>> -> memref<128x128xf32, #tpu.memory_space<hbm>>
    %dma_start3A_81 = arith.constant 0 : i32
    %dma_start3A_82 = tpu.memref_slice %arg7[%add3A_78, %dma_start3A_81] : memref<16384x128xf32, #tpu.memory_space<hbm>> -> memref<128x128xf32, #tpu.memory_space<hbm>>
    tpu.enqueue_dma source(%arg16 : memref<128x128xf32, #tpu.memory_space<vmem>>) target(%dma_start3A_82 : memref<128x128xf32, #tpu.memory_space<hbm>>) target_semaphore(%arg24 : memref<!tpu.dma_semaphore, #tpu.memory_space<semaphore_mem>>)
    %dma_wait3A_83 = arith.constant 0 : i32
    %dma_wait3A_84 = tpu.memref_slice %arg7[%add3A_18, %dma_wait3A_83] : memref<16384x128xf32, #tpu.memory_space<hbm>> -> memref<128x128xf32, #tpu.memory_space<hbm>>
    %dma_wait3A_85 = arith.constant 0 : i32
    %dma_wait3A_86 = tpu.memref_slice %arg7[%add3A_18, %dma_wait3A_85] : memref<16384x128xf32, #tpu.memory_space<hbm>> -> memref<128x128xf32, #tpu.memory_space<hbm>>
    tpu.wait_dma2 semaphore(%arg21 : memref<!tpu.dma_semaphore, #tpu.memory_space<semaphore_mem>>) src(%arg13 : memref<128x128xf32, #tpu.memory_space<vmem>>) dst(%dma_wait3A_86 : memref<128x128xf32, #tpu.memory_space<hbm>>)
    %dma_start3A_87 = arith.constant 0 : i32
    %dma_start3A_88 = arith.constant 0 : i32
    %dma_start3A_89 = tpu.memref_slice %arg11[%dma_start3A_87, %dma_start3A_88] : memref<4x128xi32, #tpu.memory_space<vmem>> -> memref<1x128xi32, #tpu.memory_space<vmem>>
    %dma_start3A_90 = tpu.memref_squeeze %dma_start3A_89 : memref<1x128xi32, #tpu.memory_space<vmem>> -> memref<128xi32, #tpu.memory_space<vmem>>
    %dma_start3A_91 = arith.constant 0 : i32
    %dma_start3A_92 = arith.constant 0 : i32
    %dma_start3A_93 = tpu.memref_slice %arg3[%dma_start3A_91, %dma_start3A_92] : memref<253952x128xf32, #tpu.memory_space<hbm>> -> memref<253952x128xf32, #tpu.memory_space<hbm>>
    tpu.enqueue_indirect_dma source(%dma_start3A_93 : memref<253952x128xf32, #tpu.memory_space<hbm>>) target(%arg13 : memref<128x128xf32, #tpu.memory_space<vmem>>) offsets(%dma_start3A_90 : memref<128xi32, #tpu.memory_space<vmem>>) semaphore(%arg17 : memref<!tpu.dma_semaphore, #tpu.memory_space<semaphore_mem>>)
    %dma_wait3A_94 = arith.constant 0 : i32
    %dma_wait3A_95 = arith.constant 0 : i32
    %dma_wait3A_96 = tpu.memref_slice %arg11[%dma_wait3A_94, %dma_wait3A_95] : memref<4x128xi32, #tpu.memory_space<vmem>> -> memref<1x128xi32, #tpu.memory_space<vmem>>
    %dma_wait3A_97 = tpu.memref_squeeze %dma_wait3A_96 : memref<1x128xi32, #tpu.memory_space<vmem>> -> memref<128xi32, #tpu.memory_space<vmem>>
    %dma_wait3A_98 = arith.constant 0 : i32
    %dma_wait3A_99 = arith.constant 0 : i32
    %dma_wait3A_100 = tpu.memref_slice %arg3[%dma_wait3A_98, %dma_wait3A_99] : memref<253952x128xf32, #tpu.memory_space<hbm>> -> memref<253952x128xf32, #tpu.memory_space<hbm>>
    tpu.wait_indirect_dma semaphore(%arg17 : memref<!tpu.dma_semaphore, #tpu.memory_space<semaphore_mem>>) src(%dma_wait3A_100 : memref<253952x128xf32, #tpu.memory_space<hbm>>) dst(%arg13 : memref<128x128xf32, #tpu.memory_space<vmem>>)
    %add3A_101 = arith.constant 0 : i32
    %add3A_102 = arith.addi %mul3A_4, %add3A_101 : i32
    %dma_start3A_103 = arith.constant 0 : i32
    %dma_start3A_104 = tpu.memref_slice %arg8[%add3A_102, %dma_start3A_103] : memref<16384x128xf32, #tpu.memory_space<hbm>> -> memref<128x128xf32, #tpu.memory_space<hbm>>
    %dma_start3A_105 = arith.constant 0 : i32
    %dma_start3A_106 = tpu.memref_slice %arg8[%add3A_102, %dma_start3A_105] : memref<16384x128xf32, #tpu.memory_space<hbm>> -> memref<128x128xf32, #tpu.memory_space<hbm>>
    tpu.enqueue_dma source(%arg13 : memref<128x128xf32, #tpu.memory_space<vmem>>) target(%dma_start3A_106 : memref<128x128xf32, #tpu.memory_space<hbm>>) target_semaphore(%arg21 : memref<!tpu.dma_semaphore, #tpu.memory_space<semaphore_mem>>)
    %dma_wait3A_107 = arith.constant 0 : i32
    %dma_wait3A_108 = tpu.memref_slice %arg7[%add3A_38, %dma_wait3A_107] : memref<16384x128xf32, #tpu.memory_space<hbm>> -> memref<128x128xf32, #tpu.memory_space<hbm>>
    %dma_wait3A_109 = arith.constant 0 : i32
    %dma_wait3A_110 = tpu.memref_slice %arg7[%add3A_38, %dma_wait3A_109] : memref<16384x128xf32, #tpu.memory_space<hbm>> -> memref<128x128xf32, #tpu.memory_space<hbm>>
    tpu.wait_dma2 semaphore(%arg22 : memref<!tpu.dma_semaphore, #tpu.memory_space<semaphore_mem>>) src(%arg14 : memref<128x128xf32, #tpu.memory_space<vmem>>) dst(%dma_wait3A_110 : memref<128x128xf32, #tpu.memory_space<hbm>>)
    %dma_start3A_111 = arith.constant 1 : i32
    %dma_start3A_112 = arith.constant 0 : i32
    %dma_start3A_113 = tpu.memref_slice %arg11[%dma_start3A_111, %dma_start3A_112] : memref<4x128xi32, #tpu.memory_space<vmem>> -> memref<1x128xi32, #tpu.memory_space<vmem>>
    %dma_start3A_114 = tpu.memref_squeeze %dma_start3A_113 : memref<1x128xi32, #tpu.memory_space<vmem>> -> memref<128xi32, #tpu.memory_space<vmem>>
    %dma_start3A_115 = arith.constant 0 : i32
    %dma_start3A_116 = arith.constant 0 : i32
    %dma_start3A_117 = tpu.memref_slice %arg3[%dma_start3A_115, %dma_start3A_116] : memref<253952x128xf32, #tpu.memory_space<hbm>> -> memref<253952x128xf32, #tpu.memory_space<hbm>>
    tpu.enqueue_indirect_dma source(%dma_start3A_117 : memref<253952x128xf32, #tpu.memory_space<hbm>>) target(%arg14 : memref<128x128xf32, #tpu.memory_space<vmem>>) offsets(%dma_start3A_114 : memref<128xi32, #tpu.memory_space<vmem>>) semaphore(%arg18 : memref<!tpu.dma_semaphore, #tpu.memory_space<semaphore_mem>>)
    %dma_wait3A_118 = arith.constant 1 : i32
    %dma_wait3A_119 = arith.constant 0 : i32
    %dma_wait3A_120 = tpu.memref_slice %arg11[%dma_wait3A_118, %dma_wait3A_119] : memref<4x128xi32, #tpu.memory_space<vmem>> -> memref<1x128xi32, #tpu.memory_space<vmem>>
    %dma_wait3A_121 = tpu.memref_squeeze %dma_wait3A_120 : memref<1x128xi32, #tpu.memory_space<vmem>> -> memref<128xi32, #tpu.memory_space<vmem>>
    %dma_wait3A_122 = arith.constant 0 : i32
    %dma_wait3A_123 = arith.constant 0 : i32
    %dma_wait3A_124 = tpu.memref_slice %arg3[%dma_wait3A_122, %dma_wait3A_123] : memref<253952x128xf32, #tpu.memory_space<hbm>> -> memref<253952x128xf32, #tpu.memory_space<hbm>>
    tpu.wait_indirect_dma semaphore(%arg18 : memref<!tpu.dma_semaphore, #tpu.memory_space<semaphore_mem>>) src(%dma_wait3A_124 : memref<253952x128xf32, #tpu.memory_space<hbm>>) dst(%arg14 : memref<128x128xf32, #tpu.memory_space<vmem>>)
    %add3A_125 = arith.constant 128 : i32
    %add3A_126 = arith.addi %mul3A_4, %add3A_125 : i32
    %dma_start3A_127 = arith.constant 0 : i32
    %dma_start3A_128 = tpu.memref_slice %arg8[%add3A_126, %dma_start3A_127] : memref<16384x128xf32, #tpu.memory_space<hbm>> -> memref<128x128xf32, #tpu.memory_space<hbm>>
    %dma_start3A_129 = arith.constant 0 : i32
    %dma_start3A_130 = tpu.memref_slice %arg8[%add3A_126, %dma_start3A_129] : memref<16384x128xf32, #tpu.memory_space<hbm>> -> memref<128x128xf32, #tpu.memory_space<hbm>>
    tpu.enqueue_dma source(%arg14 : memref<128x128xf32, #tpu.memory_space<vmem>>) target(%dma_start3A_130 : memref<128x128xf32, #tpu.memory_space<hbm>>) target_semaphore(%arg22 : memref<!tpu.dma_semaphore, #tpu.memory_space<semaphore_mem>>)
    %dma_wait3A_131 = arith.constant 0 : i32
    %dma_wait3A_132 = tpu.memref_slice %arg7[%add3A_58, %dma_wait3A_131] : memref<16384x128xf32, #tpu.memory_space<hbm>> -> memref<128x128xf32, #tpu.memory_space<hbm>>
    %dma_wait3A_133 = arith.constant 0 : i32
    %dma_wait3A_134 = tpu.memref_slice %arg7[%add3A_58, %dma_wait3A_133] : memref<16384x128xf32, #tpu.memory_space<hbm>> -> memref<128x128xf32, #tpu.memory_space<hbm>>
    tpu.wait_dma2 semaphore(%arg23 : memref<!tpu.dma_semaphore, #tpu.memory_space<semaphore_mem>>) src(%arg15 : memref<128x128xf32, #tpu.memory_space<vmem>>) dst(%dma_wait3A_134 : memref<128x128xf32, #tpu.memory_space<hbm>>)
    %dma_start3A_135 = arith.constant 2 : i32
    %dma_start3A_136 = arith.constant 0 : i32
    %dma_start3A_137 = tpu.memref_slice %arg11[%dma_start3A_135, %dma_start3A_136] : memref<4x128xi32, #tpu.memory_space<vmem>> -> memref<1x128xi32, #tpu.memory_space<vmem>>
    %dma_start3A_138 = tpu.memref_squeeze %dma_start3A_137 : memref<1x128xi32, #tpu.memory_space<vmem>> -> memref<128xi32, #tpu.memory_space<vmem>>
    %dma_start3A_139 = arith.constant 0 : i32
    %dma_start3A_140 = arith.constant 0 : i32
    %dma_start3A_141 = tpu.memref_slice %arg3[%dma_start3A_139, %dma_start3A_140] : memref<253952x128xf32, #tpu.memory_space<hbm>> -> memref<253952x128xf32, #tpu.memory_space<hbm>>
    tpu.enqueue_indirect_dma source(%dma_start3A_141 : memref<253952x128xf32, #tpu.memory_space<hbm>>) target(%arg15 : memref<128x128xf32, #tpu.memory_space<vmem>>) offsets(%dma_start3A_138 : memref<128xi32, #tpu.memory_space<vmem>>) semaphore(%arg19 : memref<!tpu.dma_semaphore, #tpu.memory_space<semaphore_mem>>)
    %dma_wait3A_142 = arith.constant 2 : i32
    %dma_wait3A_143 = arith.constant 0 : i32
    %dma_wait3A_144 = tpu.memref_slice %arg11[%dma_wait3A_142, %dma_wait3A_143] : memref<4x128xi32, #tpu.memory_space<vmem>> -> memref<1x128xi32, #tpu.memory_space<vmem>>
    %dma_wait3A_145 = tpu.memref_squeeze %dma_wait3A_144 : memref<1x128xi32, #tpu.memory_space<vmem>> -> memref<128xi32, #tpu.memory_space<vmem>>
    %dma_wait3A_146 = arith.constant 0 : i32
    %dma_wait3A_147 = arith.constant 0 : i32
    %dma_wait3A_148 = tpu.memref_slice %arg3[%dma_wait3A_146, %dma_wait3A_147] : memref<253952x128xf32, #tpu.memory_space<hbm>> -> memref<253952x128xf32, #tpu.memory_space<hbm>>
    tpu.wait_indirect_dma semaphore(%arg19 : memref<!tpu.dma_semaphore, #tpu.memory_space<semaphore_mem>>) src(%dma_wait3A_148 : memref<253952x128xf32, #tpu.memory_space<hbm>>) dst(%arg15 : memref<128x128xf32, #tpu.memory_space<vmem>>)
    %add3A_149 = arith.constant 256 : i32
    %add3A_150 = arith.addi %mul3A_4, %add3A_149 : i32
    %dma_start3A_151 = arith.constant 0 : i32
    %dma_start3A_152 = tpu.memref_slice %arg8[%add3A_150, %dma_start3A_151] : memref<16384x128xf32, #tpu.memory_space<hbm>> -> memref<128x128xf32, #tpu.memory_space<hbm>>
    %dma_start3A_153 = arith.constant 0 : i32
    %dma_start3A_154 = tpu.memref_slice %arg8[%add3A_150, %dma_start3A_153] : memref<16384x128xf32, #tpu.memory_space<hbm>> -> memref<128x128xf32, #tpu.memory_space<hbm>>
    tpu.enqueue_dma source(%arg15 : memref<128x128xf32, #tpu.memory_space<vmem>>) target(%dma_start3A_154 : memref<128x128xf32, #tpu.memory_space<hbm>>) target_semaphore(%arg23 : memref<!tpu.dma_semaphore, #tpu.memory_space<semaphore_mem>>)
    %dma_wait3A_155 = arith.constant 0 : i32
    %dma_wait3A_156 = tpu.memref_slice %arg7[%add3A_78, %dma_wait3A_155] : memref<16384x128xf32, #tpu.memory_space<hbm>> -> memref<128x128xf32, #tpu.memory_space<hbm>>
    %dma_wait3A_157 = arith.constant 0 : i32
    %dma_wait3A_158 = tpu.memref_slice %arg7[%add3A_78, %dma_wait3A_157] : memref<16384x128xf32, #tpu.memory_space<hbm>> -> memref<128x128xf32, #tpu.memory_space<hbm>>
    tpu.wait_dma2 semaphore(%arg24 : memref<!tpu.dma_semaphore, #tpu.memory_space<semaphore_mem>>) src(%arg16 : memref<128x128xf32, #tpu.memory_space<vmem>>) dst(%dma_wait3A_158 : memref<128x128xf32, #tpu.memory_space<hbm>>)
    %dma_start3A_159 = arith.constant 3 : i32
    %dma_start3A_160 = arith.constant 0 : i32
    %dma_start3A_161 = tpu.memref_slice %arg11[%dma_start3A_159, %dma_start3A_160] : memref<4x128xi32, #tpu.memory_space<vmem>> -> memref<1x128xi32, #tpu.memory_space<vmem>>
    %dma_start3A_162 = tpu.memref_squeeze %dma_start3A_161 : memref<1x128xi32, #tpu.memory_space<vmem>> -> memref<128xi32, #tpu.memory_space<vmem>>
    %dma_start3A_163 = arith.constant 0 : i32
    %dma_start3A_164 = arith.constant 0 : i32
    %dma_start3A_165 = tpu.memref_slice %arg3[%dma_start3A_163, %dma_start3A_164] : memref<253952x128xf32, #tpu.memory_space<hbm>> -> memref<253952x128xf32, #tpu.memory_space<hbm>>
    tpu.enqueue_indirect_dma source(%dma_start3A_165 : memref<253952x128xf32, #tpu.memory_space<hbm>>) target(%arg16 : memref<128x128xf32, #tpu.memory_space<vmem>>) offsets(%dma_start3A_162 : memref<128xi32, #tpu.memory_space<vmem>>) semaphore(%arg20 : memref<!tpu.dma_semaphore, #tpu.memory_space<semaphore_mem>>)
    %dma_wait3A_166 = arith.constant 3 : i32
    %dma_wait3A_167 = arith.constant 0 : i32
    %dma_wait3A_168 = tpu.memref_slice %arg11[%dma_wait3A_166, %dma_wait3A_167] : memref<4x128xi32, #tpu.memory_space<vmem>> -> memref<1x128xi32, #tpu.memory_space<vmem>>
    %dma_wait3A_169 = tpu.memref_squeeze %dma_wait3A_168 : memref<1x128xi32, #tpu.memory_space<vmem>> -> memref<128xi32, #tpu.memory_space<vmem>>
    %dma_wait3A_170 = arith.constant 0 : i32
    %dma_wait3A_171 = arith.constant 0 : i32
    %dma_wait3A_172 = tpu.memref_slice %arg3[%dma_wait3A_170, %dma_wait3A_171] : memref<253952x128xf32, #tpu.memory_space<hbm>> -> memref<253952x128xf32, #tpu.memory_space<hbm>>
    tpu.wait_indirect_dma semaphore(%arg20 : memref<!tpu.dma_semaphore, #tpu.memory_space<semaphore_mem>>) src(%dma_wait3A_172 : memref<253952x128xf32, #tpu.memory_space<hbm>>) dst(%arg16 : memref<128x128xf32, #tpu.memory_space<vmem>>)
    %add3A_173 = arith.constant 384 : i32
    %add3A_174 = arith.addi %mul3A_4, %add3A_173 : i32
    %dma_start3A_175 = arith.constant 0 : i32
    %dma_start3A_176 = tpu.memref_slice %arg8[%add3A_174, %dma_start3A_175] : memref<16384x128xf32, #tpu.memory_space<hbm>> -> memref<128x128xf32, #tpu.memory_space<hbm>>
    %dma_start3A_177 = arith.constant 0 : i32
    %dma_start3A_178 = tpu.memref_slice %arg8[%add3A_174, %dma_start3A_177] : memref<16384x128xf32, #tpu.memory_space<hbm>> -> memref<128x128xf32, #tpu.memory_space<hbm>>
    tpu.enqueue_dma source(%arg16 : memref<128x128xf32, #tpu.memory_space<vmem>>) target(%dma_start3A_178 : memref<128x128xf32, #tpu.memory_space<hbm>>) target_semaphore(%arg24 : memref<!tpu.dma_semaphore, #tpu.memory_space<semaphore_mem>>)
    %dma_wait3A_179 = arith.constant 0 : i32
    %dma_wait3A_180 = tpu.memref_slice %arg8[%add3A_102, %dma_wait3A_179] : memref<16384x128xf32, #tpu.memory_space<hbm>> -> memref<128x128xf32, #tpu.memory_space<hbm>>
    %dma_wait3A_181 = arith.constant 0 : i32
    %dma_wait3A_182 = tpu.memref_slice %arg8[%add3A_102, %dma_wait3A_181] : memref<16384x128xf32, #tpu.memory_space<hbm>> -> memref<128x128xf32, #tpu.memory_space<hbm>>
    tpu.wait_dma2 semaphore(%arg21 : memref<!tpu.dma_semaphore, #tpu.memory_space<semaphore_mem>>) src(%arg13 : memref<128x128xf32, #tpu.memory_space<vmem>>) dst(%dma_wait3A_182 : memref<128x128xf32, #tpu.memory_space<hbm>>)
    %dma_start3A_183 = arith.constant 0 : i32
    %dma_start3A_184 = arith.constant 0 : i32
    %dma_start3A_185 = tpu.memref_slice %arg12[%dma_start3A_183, %dma_start3A_184] : memref<4x128xi32, #tpu.memory_space<vmem>> -> memref<1x128xi32, #tpu.memory_space<vmem>>
    %dma_start3A_186 = tpu.memref_squeeze %dma_start3A_185 : memref<1x128xi32, #tpu.memory_space<vmem>> -> memref<128xi32, #tpu.memory_space<vmem>>
    %dma_start3A_187 = arith.constant 0 : i32
    %dma_start3A_188 = arith.constant 0 : i32
    %dma_start3A_189 = tpu.memref_slice %arg3[%dma_start3A_187, %dma_start3A_188] : memref<253952x128xf32, #tpu.memory_space<hbm>> -> memref<253952x128xf32, #tpu.memory_space<hbm>>
    tpu.enqueue_indirect_dma source(%dma_start3A_189 : memref<253952x128xf32, #tpu.memory_space<hbm>>) target(%arg13 : memref<128x128xf32, #tpu.memory_space<vmem>>) offsets(%dma_start3A_186 : memref<128xi32, #tpu.memory_space<vmem>>) semaphore(%arg17 : memref<!tpu.dma_semaphore, #tpu.memory_space<semaphore_mem>>)
    %dma_wait3A_190 = arith.constant 0 : i32
    %dma_wait3A_191 = arith.constant 0 : i32
    %dma_wait3A_192 = tpu.memref_slice %arg12[%dma_wait3A_190, %dma_wait3A_191] : memref<4x128xi32, #tpu.memory_space<vmem>> -> memref<1x128xi32, #tpu.memory_space<vmem>>
    %dma_wait3A_193 = tpu.memref_squeeze %dma_wait3A_192 : memref<1x128xi32, #tpu.memory_space<vmem>> -> memref<128xi32, #tpu.memory_space<vmem>>
    %dma_wait3A_194 = arith.constant 0 : i32
    %dma_wait3A_195 = arith.constant 0 : i32
    %dma_wait3A_196 = tpu.memref_slice %arg3[%dma_wait3A_194, %dma_wait3A_195] : memref<253952x128xf32, #tpu.memory_space<hbm>> -> memref<253952x128xf32, #tpu.memory_space<hbm>>
    tpu.wait_indirect_dma semaphore(%arg17 : memref<!tpu.dma_semaphore, #tpu.memory_space<semaphore_mem>>) src(%dma_wait3A_196 : memref<253952x128xf32, #tpu.memory_space<hbm>>) dst(%arg13 : memref<128x128xf32, #tpu.memory_space<vmem>>)
    %add3A_197 = arith.constant 0 : i32
    %add3A_198 = arith.addi %mul3A_4, %add3A_197 : i32
    %dma_start3A_199 = arith.constant 0 : i32
    %dma_start3A_200 = tpu.memref_slice %arg9[%add3A_198, %dma_start3A_199] : memref<16384x128xf32, #tpu.memory_space<hbm>> -> memref<128x128xf32, #tpu.memory_space<hbm>>
    %dma_start3A_201 = arith.constant 0 : i32
    %dma_start3A_202 = tpu.memref_slice %arg9[%add3A_198, %dma_start3A_201] : memref<16384x128xf32, #tpu.memory_space<hbm>> -> memref<128x128xf32, #tpu.memory_space<hbm>>
    tpu.enqueue_dma source(%arg13 : memref<128x128xf32, #tpu.memory_space<vmem>>) target(%dma_start3A_202 : memref<128x128xf32, #tpu.memory_space<hbm>>) target_semaphore(%arg21 : memref<!tpu.dma_semaphore, #tpu.memory_space<semaphore_mem>>)
    %dma_wait3A_203 = arith.constant 0 : i32
    %dma_wait3A_204 = tpu.memref_slice %arg8[%add3A_126, %dma_wait3A_203] : memref<16384x128xf32, #tpu.memory_space<hbm>> -> memref<128x128xf32, #tpu.memory_space<hbm>>
    %dma_wait3A_205 = arith.constant 0 : i32
    %dma_wait3A_206 = tpu.memref_slice %arg8[%add3A_126, %dma_wait3A_205] : memref<16384x128xf32, #tpu.memory_space<hbm>> -> memref<128x128xf32, #tpu.memory_space<hbm>>
    tpu.wait_dma2 semaphore(%arg22 : memref<!tpu.dma_semaphore, #tpu.memory_space<semaphore_mem>>) src(%arg14 : memref<128x128xf32, #tpu.memory_space<vmem>>) dst(%dma_wait3A_206 : memref<128x128xf32, #tpu.memory_space<hbm>>)
    %dma_start3A_207 = arith.constant 1 : i32
    %dma_start3A_208 = arith.constant 0 : i32
    %dma_start3A_209 = tpu.memref_slice %arg12[%dma_start3A_207, %dma_start3A_208] : memref<4x128xi32, #tpu.memory_space<vmem>> -> memref<1x128xi32, #tpu.memory_space<vmem>>
    %dma_start3A_210 = tpu.memref_squeeze %dma_start3A_209 : memref<1x128xi32, #tpu.memory_space<vmem>> -> memref<128xi32, #tpu.memory_space<vmem>>
    %dma_start3A_211 = arith.constant 0 : i32
    %dma_start3A_212 = arith.constant 0 : i32
    %dma_start3A_213 = tpu.memref_slice %arg3[%dma_start3A_211, %dma_start3A_212] : memref<253952x128xf32, #tpu.memory_space<hbm>> -> memref<253952x128xf32, #tpu.memory_space<hbm>>
    tpu.enqueue_indirect_dma source(%dma_start3A_213 : memref<253952x128xf32, #tpu.memory_space<hbm>>) target(%arg14 : memref<128x128xf32, #tpu.memory_space<vmem>>) offsets(%dma_start3A_210 : memref<128xi32, #tpu.memory_space<vmem>>) semaphore(%arg18 : memref<!tpu.dma_semaphore, #tpu.memory_space<semaphore_mem>>)
    %dma_wait3A_214 = arith.constant 1 : i32
    %dma_wait3A_215 = arith.constant 0 : i32
    %dma_wait3A_216 = tpu.memref_slice %arg12[%dma_wait3A_214, %dma_wait3A_215] : memref<4x128xi32, #tpu.memory_space<vmem>> -> memref<1x128xi32, #tpu.memory_space<vmem>>
    %dma_wait3A_217 = tpu.memref_squeeze %dma_wait3A_216 : memref<1x128xi32, #tpu.memory_space<vmem>> -> memref<128xi32, #tpu.memory_space<vmem>>
    %dma_wait3A_218 = arith.constant 0 : i32
    %dma_wait3A_219 = arith.constant 0 : i32
    %dma_wait3A_220 = tpu.memref_slice %arg3[%dma_wait3A_218, %dma_wait3A_219] : memref<253952x128xf32, #tpu.memory_space<hbm>> -> memref<253952x128xf32, #tpu.memory_space<hbm>>
    tpu.wait_indirect_dma semaphore(%arg18 : memref<!tpu.dma_semaphore, #tpu.memory_space<semaphore_mem>>) src(%dma_wait3A_220 : memref<253952x128xf32, #tpu.memory_space<hbm>>) dst(%arg14 : memref<128x128xf32, #tpu.memory_space<vmem>>)
    %add3A_221 = arith.constant 128 : i32
    %add3A_222 = arith.addi %mul3A_4, %add3A_221 : i32
    %dma_start3A_223 = arith.constant 0 : i32
    %dma_start3A_224 = tpu.memref_slice %arg9[%add3A_222, %dma_start3A_223] : memref<16384x128xf32, #tpu.memory_space<hbm>> -> memref<128x128xf32, #tpu.memory_space<hbm>>
    %dma_start3A_225 = arith.constant 0 : i32
    %dma_start3A_226 = tpu.memref_slice %arg9[%add3A_222, %dma_start3A_225] : memref<16384x128xf32, #tpu.memory_space<hbm>> -> memref<128x128xf32, #tpu.memory_space<hbm>>
    tpu.enqueue_dma source(%arg14 : memref<128x128xf32, #tpu.memory_space<vmem>>) target(%dma_start3A_226 : memref<128x128xf32, #tpu.memory_space<hbm>>) target_semaphore(%arg22 : memref<!tpu.dma_semaphore, #tpu.memory_space<semaphore_mem>>)
    %dma_wait3A_227 = arith.constant 0 : i32
    %dma_wait3A_228 = tpu.memref_slice %arg8[%add3A_150, %dma_wait3A_227] : memref<16384x128xf32, #tpu.memory_space<hbm>> -> memref<128x128xf32, #tpu.memory_space<hbm>>
    %dma_wait3A_229 = arith.constant 0 : i32
    %dma_wait3A_230 = tpu.memref_slice %arg8[%add3A_150, %dma_wait3A_229] : memref<16384x128xf32, #tpu.memory_space<hbm>> -> memref<128x128xf32, #tpu.memory_space<hbm>>
    tpu.wait_dma2 semaphore(%arg23 : memref<!tpu.dma_semaphore, #tpu.memory_space<semaphore_mem>>) src(%arg15 : memref<128x128xf32, #tpu.memory_space<vmem>>) dst(%dma_wait3A_230 : memref<128x128xf32, #tpu.memory_space<hbm>>)
    %dma_start3A_231 = arith.constant 2 : i32
    %dma_start3A_232 = arith.constant 0 : i32
    %dma_start3A_233 = tpu.memref_slice %arg12[%dma_start3A_231, %dma_start3A_232] : memref<4x128xi32, #tpu.memory_space<vmem>> -> memref<1x128xi32, #tpu.memory_space<vmem>>
    %dma_start3A_234 = tpu.memref_squeeze %dma_start3A_233 : memref<1x128xi32, #tpu.memory_space<vmem>> -> memref<128xi32, #tpu.memory_space<vmem>>
    %dma_start3A_235 = arith.constant 0 : i32
    %dma_start3A_236 = arith.constant 0 : i32
    %dma_start3A_237 = tpu.memref_slice %arg3[%dma_start3A_235, %dma_start3A_236] : memref<253952x128xf32, #tpu.memory_space<hbm>> -> memref<253952x128xf32, #tpu.memory_space<hbm>>
    tpu.enqueue_indirect_dma source(%dma_start3A_237 : memref<253952x128xf32, #tpu.memory_space<hbm>>) target(%arg15 : memref<128x128xf32, #tpu.memory_space<vmem>>) offsets(%dma_start3A_234 : memref<128xi32, #tpu.memory_space<vmem>>) semaphore(%arg19 : memref<!tpu.dma_semaphore, #tpu.memory_space<semaphore_mem>>)
    %dma_wait3A_238 = arith.constant 2 : i32
    %dma_wait3A_239 = arith.constant 0 : i32
    %dma_wait3A_240 = tpu.memref_slice %arg12[%dma_wait3A_238, %dma_wait3A_239] : memref<4x128xi32, #tpu.memory_space<vmem>> -> memref<1x128xi32, #tpu.memory_space<vmem>>
    %dma_wait3A_241 = tpu.memref_squeeze %dma_wait3A_240 : memref<1x128xi32, #tpu.memory_space<vmem>> -> memref<128xi32, #tpu.memory_space<vmem>>
    %dma_wait3A_242 = arith.constant 0 : i32
    %dma_wait3A_243 = arith.constant 0 : i32
    %dma_wait3A_244 = tpu.memref_slice %arg3[%dma_wait3A_242, %dma_wait3A_243] : memref<253952x128xf32, #tpu.memory_space<hbm>> -> memref<253952x128xf32, #tpu.memory_space<hbm>>
    tpu.wait_indirect_dma semaphore(%arg19 : memref<!tpu.dma_semaphore, #tpu.memory_space<semaphore_mem>>) src(%dma_wait3A_244 : memref<253952x128xf32, #tpu.memory_space<hbm>>) dst(%arg15 : memref<128x128xf32, #tpu.memory_space<vmem>>)
    %add3A_245 = arith.constant 256 : i32
    %add3A_246 = arith.addi %mul3A_4, %add3A_245 : i32
    %dma_start3A_247 = arith.constant 0 : i32
    %dma_start3A_248 = tpu.memref_slice %arg9[%add3A_246, %dma_start3A_247] : memref<16384x128xf32, #tpu.memory_space<hbm>> -> memref<128x128xf32, #tpu.memory_space<hbm>>
    %dma_start3A_249 = arith.constant 0 : i32
    %dma_start3A_250 = tpu.memref_slice %arg9[%add3A_246, %dma_start3A_249] : memref<16384x128xf32, #tpu.memory_space<hbm>> -> memref<128x128xf32, #tpu.memory_space<hbm>>
    tpu.enqueue_dma source(%arg15 : memref<128x128xf32, #tpu.memory_space<vmem>>) target(%dma_start3A_250 : memref<128x128xf32, #tpu.memory_space<hbm>>) target_semaphore(%arg23 : memref<!tpu.dma_semaphore, #tpu.memory_space<semaphore_mem>>)
    %dma_wait3A_251 = arith.constant 0 : i32
    %dma_wait3A_252 = tpu.memref_slice %arg8[%add3A_174, %dma_wait3A_251] : memref<16384x128xf32, #tpu.memory_space<hbm>> -> memref<128x128xf32, #tpu.memory_space<hbm>>
    %dma_wait3A_253 = arith.constant 0 : i32
    %dma_wait3A_254 = tpu.memref_slice %arg8[%add3A_174, %dma_wait3A_253] : memref<16384x128xf32, #tpu.memory_space<hbm>> -> memref<128x128xf32, #tpu.memory_space<hbm>>
    tpu.wait_dma2 semaphore(%arg24 : memref<!tpu.dma_semaphore, #tpu.memory_space<semaphore_mem>>) src(%arg16 : memref<128x128xf32, #tpu.memory_space<vmem>>) dst(%dma_wait3A_254 : memref<128x128xf32, #tpu.memory_space<hbm>>)
    %dma_start3A_255 = arith.constant 3 : i32
    %dma_start3A_256 = arith.constant 0 : i32
    %dma_start3A_257 = tpu.memref_slice %arg12[%dma_start3A_255, %dma_start3A_256] : memref<4x128xi32, #tpu.memory_space<vmem>> -> memref<1x128xi32, #tpu.memory_space<vmem>>
    %dma_start3A_258 = tpu.memref_squeeze %dma_start3A_257 : memref<1x128xi32, #tpu.memory_space<vmem>> -> memref<128xi32, #tpu.memory_space<vmem>>
    %dma_start3A_259 = arith.constant 0 : i32
    %dma_start3A_260 = arith.constant 0 : i32
    %dma_start3A_261 = tpu.memref_slice %arg3[%dma_start3A_259, %dma_start3A_260] : memref<253952x128xf32, #tpu.memory_space<hbm>> -> memref<253952x128xf32, #tpu.memory_space<hbm>>
    tpu.enqueue_indirect_dma source(%dma_start3A_261 : memref<253952x128xf32, #tpu.memory_space<hbm>>) target(%arg16 : memref<128x128xf32, #tpu.memory_space<vmem>>) offsets(%dma_start3A_258 : memref<128xi32, #tpu.memory_space<vmem>>) semaphore(%arg20 : memref<!tpu.dma_semaphore, #tpu.memory_space<semaphore_mem>>)
    %dma_wait3A_262 = arith.constant 3 : i32
    %dma_wait3A_263 = arith.constant 0 : i32
    %dma_wait3A_264 = tpu.memref_slice %arg12[%dma_wait3A_262, %dma_wait3A_263] : memref<4x128xi32, #tpu.memory_space<vmem>> -> memref<1x128xi32, #tpu.memory_space<vmem>>
    %dma_wait3A_265 = tpu.memref_squeeze %dma_wait3A_264 : memref<1x128xi32, #tpu.memory_space<vmem>> -> memref<128xi32, #tpu.memory_space<vmem>>
    %dma_wait3A_266 = arith.constant 0 : i32
    %dma_wait3A_267 = arith.constant 0 : i32
    %dma_wait3A_268 = tpu.memref_slice %arg3[%dma_wait3A_266, %dma_wait3A_267] : memref<253952x128xf32, #tpu.memory_space<hbm>> -> memref<253952x128xf32, #tpu.memory_space<hbm>>
    tpu.wait_indirect_dma semaphore(%arg20 : memref<!tpu.dma_semaphore, #tpu.memory_space<semaphore_mem>>) src(%dma_wait3A_268 : memref<253952x128xf32, #tpu.memory_space<hbm>>) dst(%arg16 : memref<128x128xf32, #tpu.memory_space<vmem>>)
    %add3A_269 = arith.constant 384 : i32
    %add3A_270 = arith.addi %mul3A_4, %add3A_269 : i32
    %dma_start3A_271 = arith.constant 0 : i32
    %dma_start3A_272 = tpu.memref_slice %arg9[%add3A_270, %dma_start3A_271] : memref<16384x128xf32, #tpu.memory_space<hbm>> -> memref<128x128xf32, #tpu.memory_space<hbm>>
    %dma_start3A_273 = arith.constant 0 : i32
    %dma_start3A_274 = tpu.memref_slice %arg9[%add3A_270, %dma_start3A_273] : memref<16384x128xf32, #tpu.memory_space<hbm>> -> memref<128x128xf32, #tpu.memory_space<hbm>>
    tpu.enqueue_dma source(%arg16 : memref<128x128xf32, #tpu.memory_space<vmem>>) target(%dma_start3A_274 : memref<128x128xf32, #tpu.memory_space<hbm>>) target_semaphore(%arg24 : memref<!tpu.dma_semaphore, #tpu.memory_space<semaphore_mem>>)
    %dma_wait3A_275 = arith.constant 0 : i32
    %dma_wait3A_276 = tpu.memref_slice %arg9[%add3A_198, %dma_wait3A_275] : memref<16384x128xf32, #tpu.memory_space<hbm>> -> memref<128x128xf32, #tpu.memory_space<hbm>>
    %dma_wait3A_277 = arith.constant 0 : i32
    %dma_wait3A_278 = tpu.memref_slice %arg9[%add3A_198, %dma_wait3A_277] : memref<16384x128xf32, #tpu.memory_space<hbm>> -> memref<128x128xf32, #tpu.memory_space<hbm>>
    tpu.wait_dma2 semaphore(%arg21 : memref<!tpu.dma_semaphore, #tpu.memory_space<semaphore_mem>>) src(%arg13 : memref<128x128xf32, #tpu.memory_space<vmem>>) dst(%dma_wait3A_278 : memref<128x128xf32, #tpu.memory_space<hbm>>)
    %dma_wait3A_279 = arith.constant 0 : i32
    %dma_wait3A_280 = tpu.memref_slice %arg9[%add3A_222, %dma_wait3A_279] : memref<16384x128xf32, #tpu.memory_space<hbm>> -> memref<128x128xf32, #tpu.memory_space<hbm>>
    %dma_wait3A_281 = arith.constant 0 : i32
    %dma_wait3A_282 = tpu.memref_slice %arg9[%add3A_222, %dma_wait3A_281] : memref<16384x128xf32, #tpu.memory_space<hbm>> -> memref<128x128xf32, #tpu.memory_space<hbm>>
    tpu.wait_dma2 semaphore(%arg22 : memref<!tpu.dma_semaphore, #tpu.memory_space<semaphore_mem>>) src(%arg14 : memref<128x128xf32, #tpu.memory_space<vmem>>) dst(%dma_wait3A_282 : memref<128x128xf32, #tpu.memory_space<hbm>>)
    %dma_wait3A_283 = arith.constant 0 : i32
    %dma_wait3A_284 = tpu.memref_slice %arg9[%add3A_246, %dma_wait3A_283] : memref<16384x128xf32, #tpu.memory_space<hbm>> -> memref<128x128xf32, #tpu.memory_space<hbm>>
    %dma_wait3A_285 = arith.constant 0 : i32
    %dma_wait3A_286 = tpu.memref_slice %arg9[%add3A_246, %dma_wait3A_285] : memref<16384x128xf32, #tpu.memory_space<hbm>> -> memref<128x128xf32, #tpu.memory_space<hbm>>
    tpu.wait_dma2 semaphore(%arg23 : memref<!tpu.dma_semaphore, #tpu.memory_space<semaphore_mem>>) src(%arg15 : memref<128x128xf32, #tpu.memory_space<vmem>>) dst(%dma_wait3A_286 : memref<128x128xf32, #tpu.memory_space<hbm>>)
    %dma_wait3A_287 = arith.constant 0 : i32
    %dma_wait3A_288 = tpu.memref_slice %arg9[%add3A_270, %dma_wait3A_287] : memref<16384x128xf32, #tpu.memory_space<hbm>> -> memref<128x128xf32, #tpu.memory_space<hbm>>
    %dma_wait3A_289 = arith.constant 0 : i32
    %dma_wait3A_290 = tpu.memref_slice %arg9[%add3A_270, %dma_wait3A_289] : memref<16384x128xf32, #tpu.memory_space<hbm>> -> memref<128x128xf32, #tpu.memory_space<hbm>>
    tpu.wait_dma2 semaphore(%arg24 : memref<!tpu.dma_semaphore, #tpu.memory_space<semaphore_mem>>) src(%arg16 : memref<128x128xf32, #tpu.memory_space<vmem>>) dst(%dma_wait3A_290 : memref<128x128xf32, #tpu.memory_space<hbm>>)
    return
  }
}

module attributes {stable_mosaic.version = 14 : i64} {
  func.func @body(%arg0: i32, %arg1: memref<32x32768xf32, #tpu.memory_space<vmem>>, %arg2: memref<8192x128xf32, #tpu.memory_space<vmem>>) attributes {dimension_semantics = [#tpu.dimension_semantics<arbitrary>], iteration_bounds = array<i64: 31>, scalar_prefetch = 0 : i64, scratch_operands = 0 : i64, tpu.core_type = #tpu.core_type<tc>, window_params = [{transform_indices = @transform_0, window_bounds = array<i64: 32, 32768>}, {transform_indices = @transform_1, window_bounds = array<i64: 8192, 128>}]} {
    %iota3A = tpu.iota {dimensions = array<i32: 0>} : vector<32x128xi32>
    %iota3A_0 = tpu.iota {dimensions = array<i32: 1>} : vector<32x128xi32>
    %add3A = arith.constant 0 : i32
    %add3A_1 = vector.broadcast %add3A : i32 to vector<32x128xi32>
    %add3A_2 = arith.addi %add3A_1, %iota3A : vector<32x128xi32>
    %eq3A = arith.cmpi eq, %iota3A_0, %add3A_2 : vector<32x128xi32>
    %convert_element_type3A = arith.extui %eq3A : vector<32x128xi1> to vector<32x128xi32>
    %convert_element_type3A_3 = arith.sitofp %convert_element_type3A : vector<32x128xi32> to vector<32x128xf32>
    %get3A = arith.constant 0 : index
    %get3A_4 = arith.constant 0 : index
    %get3A_5 = vector.load %arg1[%get3A, %get3A_4] : memref<32x32768xf32, #tpu.memory_space<vmem>>, vector<32x8192xf32>
    %dot_general3A = arith.constant dense<0.000000e+00> : vector<8192x128xf32>
    %dot_general3A_6 = tpu.matmul %get3A_5, %convert_element_type3A_3, %dot_general3A {dimension_numbers = #tpu.dot_dimension_numbers<[0], [0], [1], [1], [0, 1, 1, 1], [], []>, transpose_lhs_hint = false} : vector<32x8192xf32>, vector<32x128xf32>, vector<8192x128xf32> -> vector<8192x128xf32>
    %add3A_7 = arith.constant 32 : i32
    %add3A_8 = vector.broadcast %add3A_7 : i32 to vector<32x128xi32>
    %add3A_9 = arith.addi %add3A_8, %iota3A : vector<32x128xi32>
    %eq3A_10 = arith.cmpi eq, %iota3A_0, %add3A_9 : vector<32x128xi32>
    %convert_element_type3A_11 = arith.extui %eq3A_10 : vector<32x128xi1> to vector<32x128xi32>
    %convert_element_type3A_12 = arith.sitofp %convert_element_type3A_11 : vector<32x128xi32> to vector<32x128xf32>
    %get3A_13 = arith.constant 0 : index
    %get3A_14 = arith.constant 8192 : index
    %get3A_15 = vector.load %arg1[%get3A_13, %get3A_14] : memref<32x32768xf32, #tpu.memory_space<vmem>>, vector<32x8192xf32>
    %dot_general3A_16 = arith.constant dense<0.000000e+00> : vector<8192x128xf32>
    %dot_general3A_17 = tpu.matmul %get3A_15, %convert_element_type3A_12, %dot_general3A_16 {dimension_numbers = #tpu.dot_dimension_numbers<[0], [0], [1], [1], [0, 1, 1, 1], [], []>, transpose_lhs_hint = false} : vector<32x8192xf32>, vector<32x128xf32>, vector<8192x128xf32> -> vector<8192x128xf32>
    %add3A_18 = arith.addf %dot_general3A_6, %dot_general3A_17 : vector<8192x128xf32>
    %add3A_19 = arith.constant 64 : i32
    %add3A_20 = vector.broadcast %add3A_19 : i32 to vector<32x128xi32>
    %add3A_21 = arith.addi %add3A_20, %iota3A : vector<32x128xi32>
    %eq3A_22 = arith.cmpi eq, %iota3A_0, %add3A_21 : vector<32x128xi32>
    %convert_element_type3A_23 = arith.extui %eq3A_22 : vector<32x128xi1> to vector<32x128xi32>
    %convert_element_type3A_24 = arith.sitofp %convert_element_type3A_23 : vector<32x128xi32> to vector<32x128xf32>
    %get3A_25 = arith.constant 0 : index
    %get3A_26 = arith.constant 16384 : index
    %get3A_27 = vector.load %arg1[%get3A_25, %get3A_26] : memref<32x32768xf32, #tpu.memory_space<vmem>>, vector<32x8192xf32>
    %dot_general3A_28 = arith.constant dense<0.000000e+00> : vector<8192x128xf32>
    %dot_general3A_29 = tpu.matmul %get3A_27, %convert_element_type3A_24, %dot_general3A_28 {dimension_numbers = #tpu.dot_dimension_numbers<[0], [0], [1], [1], [0, 1, 1, 1], [], []>, transpose_lhs_hint = false} : vector<32x8192xf32>, vector<32x128xf32>, vector<8192x128xf32> -> vector<8192x128xf32>
    %add3A_30 = arith.addf %add3A_18, %dot_general3A_29 : vector<8192x128xf32>
    %add3A_31 = arith.constant 96 : i32
    %add3A_32 = vector.broadcast %add3A_31 : i32 to vector<32x128xi32>
    %add3A_33 = arith.addi %add3A_32, %iota3A : vector<32x128xi32>
    %eq3A_34 = arith.cmpi eq, %iota3A_0, %add3A_33 : vector<32x128xi32>
    %convert_element_type3A_35 = arith.extui %eq3A_34 : vector<32x128xi1> to vector<32x128xi32>
    %convert_element_type3A_36 = arith.sitofp %convert_element_type3A_35 : vector<32x128xi32> to vector<32x128xf32>
    %get3A_37 = arith.constant 0 : index
    %get3A_38 = arith.constant 24576 : index
    %get3A_39 = vector.load %arg1[%get3A_37, %get3A_38] : memref<32x32768xf32, #tpu.memory_space<vmem>>, vector<32x8192xf32>
    %dot_general3A_40 = arith.constant dense<0.000000e+00> : vector<8192x128xf32>
    %dot_general3A_41 = tpu.matmul %get3A_39, %convert_element_type3A_36, %dot_general3A_40 {dimension_numbers = #tpu.dot_dimension_numbers<[0], [0], [1], [1], [0, 1, 1, 1], [], []>, transpose_lhs_hint = false} : vector<32x8192xf32>, vector<32x128xf32>, vector<8192x128xf32> -> vector<8192x128xf32>
    %add3A_42 = arith.addf %add3A_30, %dot_general3A_41 : vector<8192x128xf32>
    %swap3A = arith.constant 0 : index
    %swap3A_43 = arith.constant 0 : index
    %swap3A_44 = vector.load %arg2[%swap3A, %swap3A_43] : memref<8192x128xf32, #tpu.memory_space<vmem>>, vector<8192x128xf32>
    tpu.vector_store %arg2[%swap3A, %swap3A_43], %add3A_42 {strides = array<i32>} : memref<8192x128xf32, #tpu.memory_space<vmem>>, vector<8192x128xf32>,
    return
  }
  func.func @transform_0(%arg0: i32) -> (i32, i32) {
    %c0_i32 = arith.constant 0 : i32
    %c0_i32_0 = arith.constant 0 : i32
    return %c0_i32, %arg0 : i32, i32
  }
  func.func @transform_1(%arg0: i32) -> (i32, i32) {
    %c0_i32 = arith.constant 0 : i32
    %c0_i32_0 = arith.constant 0 : i32
    return %arg0, %c0_i32 : i32, i32
  }
}

module attributes {stable_mosaic.version = 14 : i64} {
  func.func @body(%arg0: i32, %arg1: memref<512x128xf32, #tpu.memory_space<vmem>>, %arg2: memref<512x128xf32, #tpu.memory_space<vmem>>, %arg3: memref<512x128xf32, #tpu.memory_space<vmem>>, %arg4: memref<512x1xi32, #tpu.memory_space<vmem>>, %arg5: memref<512x1xi32, #tpu.memory_space<vmem>>, %arg6: memref<512x1xi32, #tpu.memory_space<vmem>>, %arg7: memref<1024x512xf32, #tpu.memory_space<vmem>>, %arg8: memref<1024x512xf32, #tpu.memory_space<vmem>>) attributes {dimension_semantics = [#tpu.dimension_semantics<arbitrary>], iteration_bounds = array<i64: 32>, scalar_prefetch = 0 : i64, scratch_operands = 0 : i64, tpu.core_type = #tpu.core_type<tc>, window_params = [{transform_indices = @transform_0, window_bounds = array<i64: 512, 128>}, {transform_indices = @transform_1, window_bounds = array<i64: 512, 128>}, {transform_indices = @transform_2, window_bounds = array<i64: 512, 128>}, {transform_indices = @transform_3, window_bounds = array<i64: 512, 1>}, {transform_indices = @transform_4, window_bounds = array<i64: 512, 1>}, {transform_indices = @transform_5, window_bounds = array<i64: 512, 1>}, {transform_indices = @transform_6, window_bounds = array<i64: 1024, 512>}, {transform_indices = @transform_7, window_bounds = array<i64: 1024, 512>}]} {
    %iota3A = tpu.iota {dimensions = array<i32: 0>} : vector<1024x32xi32>
    %iota3A_0 = tpu.iota {dimensions = array<i32: 1>} : vector<1024x32xi32>
    %jit3A = arith.constant 32 : i32
    %div3A = vector.broadcast %jit3A : i32 to vector<1024x32xi32>
    %div3A_1 = arith.divsi %iota3A, %div3A : vector<1024x32xi32>
    %sign3A = arith.constant 0 : i32
    %sign3A_2 = vector.broadcast %sign3A : i32 to vector<1024x32xi32>
    %sign3A_3 = arith.cmpi sgt, %iota3A, %sign3A_2 : vector<1024x32xi32>
    %sign3A_4 = arith.extui %sign3A_3 : vector<1024x32xi1> to vector<1024x32xi32>
    %sign3A_5 = arith.constant 0 : i32
    %sign3A_6 = vector.broadcast %sign3A_5 : i32 to vector<1024x32xi32>
    %sign3A_7 = arith.cmpi slt, %iota3A, %sign3A_6 : vector<1024x32xi32>
    %sign3A_8 = arith.extui %sign3A_7 : vector<1024x32xi1> to vector<1024x32xi32>
    %sign3A_9 = arith.subi %sign3A_4, %sign3A_8 : vector<1024x32xi32>
    %sign3A_10 = arith.constant 0 : i32
    %sign3A_11 = arith.cmpi sgt, %jit3A, %sign3A_10 : i32
    %sign3A_12 = arith.extui %sign3A_11 : i1 to i32
    %sign3A_13 = arith.constant 0 : i32
    %sign3A_14 = arith.cmpi slt, %jit3A, %sign3A_13 : i32
    %sign3A_15 = arith.extui %sign3A_14 : i1 to i32
    %sign3A_16 = arith.subi %sign3A_12, %sign3A_15 : i32
    %ne3A = vector.broadcast %sign3A_16 : i32 to vector<1024x32xi32>
    %ne3A_17 = arith.cmpi ne, %sign3A_9, %ne3A : vector<1024x32xi32>
    %rem3A = vector.broadcast %jit3A : i32 to vector<1024x32xi32>
    %rem3A_18 = arith.remsi %iota3A, %rem3A : vector<1024x32xi32>
    %ne3A_19 = arith.constant 0 : i32
    %ne3A_20 = vector.broadcast %ne3A_19 : i32 to vector<1024x32xi32>
    %ne3A_21 = arith.cmpi ne, %rem3A_18, %ne3A_20 : vector<1024x32xi32>
    %and3A = arith.andi %ne3A_17, %ne3A_21 : vector<1024x32xi1>
    %sub3A = arith.constant 1 : i32
    %sub3A_22 = vector.broadcast %sub3A : i32 to vector<1024x32xi32>
    %sub3A_23 = arith.subi %div3A_1, %sub3A_22 : vector<1024x32xi32>
    %select_n3A = arith.select %and3A, %sub3A_23, %div3A_1 : vector<1024x32xi1>, vector<1024x32xi32>
    %eq3A = arith.cmpi eq, %select_n3A, %iota3A_0 : vector<1024x32xi32>
    %convert_element_type3A = arith.extui %eq3A : vector<1024x32xi1> to vector<1024x32xi32>
    %convert_element_type3A_24 = arith.sitofp %convert_element_type3A : vector<1024x32xi32> to vector<1024x32xf32>
    %jit3A_25 = arith.constant 32 : i32
    %eq3A_26 = arith.constant 0 : i32
    %eq3A_27 = arith.cmpi eq, %jit3A_25, %eq3A_26 : i32
    %jit3A_28 = arith.constant 1 : i32
    %select_n3A_29 = arith.select %eq3A_27, %jit3A_28, %jit3A_25 : i32
    %rem3A_30 = vector.broadcast %select_n3A_29 : i32 to vector<1024x32xi32>
    %rem3A_31 = arith.remsi %iota3A, %rem3A_30 : vector<1024x32xi32>
    %ne3A_32 = arith.constant 0 : i32
    %ne3A_33 = vector.broadcast %ne3A_32 : i32 to vector<1024x32xi32>
    %ne3A_34 = arith.cmpi ne, %rem3A_31, %ne3A_33 : vector<1024x32xi32>
    %lt3A = arith.constant 0 : i32
    %lt3A_35 = vector.broadcast %lt3A : i32 to vector<1024x32xi32>
    %lt3A_36 = arith.cmpi slt, %rem3A_31, %lt3A_35 : vector<1024x32xi32>
    %lt3A_37 = arith.constant 0 : i32
    %lt3A_38 = arith.cmpi slt, %select_n3A_29, %lt3A_37 : i32
    %ne3A_39 = vector.broadcast %lt3A_38 : i1 to vector<1024x32xi1>
    %ne3A_40 = vector.broadcast %ne3A_39 : vector<1024x32xi1> to vector<1024x32xi1>
    %ne3A_41 = arith.xori %lt3A_36, %ne3A_40 : vector<1024x32xi1>
    %and3A_42 = arith.andi %ne3A_41, %ne3A_34 : vector<1024x32xi1>
    %add3A = vector.broadcast %select_n3A_29 : i32 to vector<1024x32xi32>
    %add3A_43 = arith.addi %rem3A_31, %add3A : vector<1024x32xi32>
    %select_n3A_44 = arith.select %and3A_42, %add3A_43, %rem3A_31 : vector<1024x32xi1>, vector<1024x32xi32>
    %eq3A_45 = arith.cmpi eq, %select_n3A_44, %iota3A_0 : vector<1024x32xi32>
    %convert_element_type3A_46 = arith.extui %eq3A_45 : vector<1024x32xi1> to vector<1024x32xi32>
    %convert_element_type3A_47 = arith.sitofp %convert_element_type3A_46 : vector<1024x32xi32> to vector<1024x32xf32>
    %get3A = arith.constant 0 : index
    %get3A_48 = arith.constant 0 : index
    %get3A_49 = vector.load %arg4[%get3A, %get3A_48] : memref<512x1xi32, #tpu.memory_space<vmem>>, vector<512x1xi32>
    %eq3A_50 = arith.constant 0 : i32
    %eq3A_51 = vector.broadcast %eq3A_50 : i32 to vector<512x1xi32>
    %eq3A_52 = arith.cmpi eq, %get3A_49, %eq3A_51 : vector<512x1xi32>
    %get3A_53 = arith.constant 0 : index
    %get3A_54 = arith.constant 0 : index
    %get3A_55 = vector.load %arg1[%get3A_53, %get3A_54] : memref<512x128xf32, #tpu.memory_space<vmem>>, vector<512x32xf32>
    %jit3A_56 = arith.constant 0.000000e+00 : f32
    %broadcast_in_dim3A = vector.shape_cast %eq3A_52 : vector<512x1xi1> to vector<512x1xi1>
    %broadcast_in_dim3A_57 = vector.broadcast %broadcast_in_dim3A : vector<512x1xi1> to vector<512x32xi1>
    %broadcast_in_dim3A_58 = vector.broadcast %jit3A_56 : f32 to vector<512x32xf32>
    %select_n3A_59 = arith.select %broadcast_in_dim3A_57, %get3A_55, %broadcast_in_dim3A_58 : vector<512x32xi1>, vector<512x32xf32>
    %eq3A_60 = arith.constant 1 : i32
    %eq3A_61 = vector.broadcast %eq3A_60 : i32 to vector<512x1xi32>
    %eq3A_62 = arith.cmpi eq, %get3A_49, %eq3A_61 : vector<512x1xi32>
    %get3A_63 = arith.constant 0 : index
    %get3A_64 = arith.constant 32 : index
    %get3A_65 = vector.load %arg1[%get3A_63, %get3A_64] : memref<512x128xf32, #tpu.memory_space<vmem>>, vector<512x32xf32>
    %jit3A_66 = arith.constant 0.000000e+00 : f32
    %broadcast_in_dim3A_67 = vector.shape_cast %eq3A_62 : vector<512x1xi1> to vector<512x1xi1>
    %broadcast_in_dim3A_68 = vector.broadcast %broadcast_in_dim3A_67 : vector<512x1xi1> to vector<512x32xi1>
    %broadcast_in_dim3A_69 = vector.broadcast %jit3A_66 : f32 to vector<512x32xf32>
    %select_n3A_70 = arith.select %broadcast_in_dim3A_68, %get3A_65, %broadcast_in_dim3A_69 : vector<512x32xi1>, vector<512x32xf32>
    %add3A_71 = arith.addf %select_n3A_59, %select_n3A_70 : vector<512x32xf32>
    %eq3A_72 = arith.constant 2 : i32
    %eq3A_73 = vector.broadcast %eq3A_72 : i32 to vector<512x1xi32>
    %eq3A_74 = arith.cmpi eq, %get3A_49, %eq3A_73 : vector<512x1xi32>
    %get3A_75 = arith.constant 0 : index
    %get3A_76 = arith.constant 64 : index
    %get3A_77 = vector.load %arg1[%get3A_75, %get3A_76] : memref<512x128xf32, #tpu.memory_space<vmem>>, vector<512x32xf32>
    %jit3A_78 = arith.constant 0.000000e+00 : f32
    %broadcast_in_dim3A_79 = vector.shape_cast %eq3A_74 : vector<512x1xi1> to vector<512x1xi1>
    %broadcast_in_dim3A_80 = vector.broadcast %broadcast_in_dim3A_79 : vector<512x1xi1> to vector<512x32xi1>
    %broadcast_in_dim3A_81 = vector.broadcast %jit3A_78 : f32 to vector<512x32xf32>
    %select_n3A_82 = arith.select %broadcast_in_dim3A_80, %get3A_77, %broadcast_in_dim3A_81 : vector<512x32xi1>, vector<512x32xf32>
    %add3A_83 = arith.addf %add3A_71, %select_n3A_82 : vector<512x32xf32>
    %eq3A_84 = arith.constant 3 : i32
    %eq3A_85 = vector.broadcast %eq3A_84 : i32 to vector<512x1xi32>
    %eq3A_86 = arith.cmpi eq, %get3A_49, %eq3A_85 : vector<512x1xi32>
    %get3A_87 = arith.constant 0 : index
    %get3A_88 = arith.constant 96 : index
    %get3A_89 = vector.load %arg1[%get3A_87, %get3A_88] : memref<512x128xf32, #tpu.memory_space<vmem>>, vector<512x32xf32>
    %jit3A_90 = arith.constant 0.000000e+00 : f32
    %broadcast_in_dim3A_91 = vector.shape_cast %eq3A_86 : vector<512x1xi1> to vector<512x1xi1>
    %broadcast_in_dim3A_92 = vector.broadcast %broadcast_in_dim3A_91 : vector<512x1xi1> to vector<512x32xi1>
    %broadcast_in_dim3A_93 = vector.broadcast %jit3A_90 : f32 to vector<512x32xf32>
    %select_n3A_94 = arith.select %broadcast_in_dim3A_92, %get3A_89, %broadcast_in_dim3A_93 : vector<512x32xi1>, vector<512x32xf32>
    %add3A_95 = arith.addf %add3A_83, %select_n3A_94 : vector<512x32xf32>
    %dot_general3A = arith.constant dense<0.000000e+00> : vector<1024x512xf32>
    %dot_general3A_96 = tpu.matmul %convert_element_type3A_24, %add3A_95, %dot_general3A {dimension_numbers = #tpu.dot_dimension_numbers<[1], [1], [0], [0], [0, 0, 1, 0], [], []>, transpose_lhs_hint = false} : vector<1024x32xf32>, vector<512x32xf32>, vector<1024x512xf32> -> vector<1024x512xf32>
    %get3A_97 = arith.constant 0 : index
    %get3A_98 = arith.constant 0 : index
    %get3A_99 = vector.load %arg5[%get3A_97, %get3A_98] : memref<512x1xi32, #tpu.memory_space<vmem>>, vector<512x1xi32>
    %eq3A_100 = arith.constant 0 : i32
    %eq3A_101 = vector.broadcast %eq3A_100 : i32 to vector<512x1xi32>
    %eq3A_102 = arith.cmpi eq, %get3A_99, %eq3A_101 : vector<512x1xi32>
    %get3A_103 = arith.constant 0 : index
    %get3A_104 = arith.constant 0 : index
    %get3A_105 = vector.load %arg2[%get3A_103, %get3A_104] : memref<512x128xf32, #tpu.memory_space<vmem>>, vector<512x32xf32>
    %jit3A_106 = arith.constant 0.000000e+00 : f32
    %broadcast_in_dim3A_107 = vector.shape_cast %eq3A_102 : vector<512x1xi1> to vector<512x1xi1>
    %broadcast_in_dim3A_108 = vector.broadcast %broadcast_in_dim3A_107 : vector<512x1xi1> to vector<512x32xi1>
    %broadcast_in_dim3A_109 = vector.broadcast %jit3A_106 : f32 to vector<512x32xf32>
    %select_n3A_110 = arith.select %broadcast_in_dim3A_108, %get3A_105, %broadcast_in_dim3A_109 : vector<512x32xi1>, vector<512x32xf32>
    %eq3A_111 = arith.constant 1 : i32
    %eq3A_112 = vector.broadcast %eq3A_111 : i32 to vector<512x1xi32>
    %eq3A_113 = arith.cmpi eq, %get3A_99, %eq3A_112 : vector<512x1xi32>
    %get3A_114 = arith.constant 0 : index
    %get3A_115 = arith.constant 32 : index
    %get3A_116 = vector.load %arg2[%get3A_114, %get3A_115] : memref<512x128xf32, #tpu.memory_space<vmem>>, vector<512x32xf32>
    %jit3A_117 = arith.constant 0.000000e+00 : f32
    %broadcast_in_dim3A_118 = vector.shape_cast %eq3A_113 : vector<512x1xi1> to vector<512x1xi1>
    %broadcast_in_dim3A_119 = vector.broadcast %broadcast_in_dim3A_118 : vector<512x1xi1> to vector<512x32xi1>
    %broadcast_in_dim3A_120 = vector.broadcast %jit3A_117 : f32 to vector<512x32xf32>
    %select_n3A_121 = arith.select %broadcast_in_dim3A_119, %get3A_116, %broadcast_in_dim3A_120 : vector<512x32xi1>, vector<512x32xf32>
    %add3A_122 = arith.addf %select_n3A_110, %select_n3A_121 : vector<512x32xf32>
    %eq3A_123 = arith.constant 2 : i32
    %eq3A_124 = vector.broadcast %eq3A_123 : i32 to vector<512x1xi32>
    %eq3A_125 = arith.cmpi eq, %get3A_99, %eq3A_124 : vector<512x1xi32>
    %get3A_126 = arith.constant 0 : index
    %get3A_127 = arith.constant 64 : index
    %get3A_128 = vector.load %arg2[%get3A_126, %get3A_127] : memref<512x128xf32, #tpu.memory_space<vmem>>, vector<512x32xf32>
    %jit3A_129 = arith.constant 0.000000e+00 : f32
    %broadcast_in_dim3A_130 = vector.shape_cast %eq3A_125 : vector<512x1xi1> to vector<512x1xi1>
    %broadcast_in_dim3A_131 = vector.broadcast %broadcast_in_dim3A_130 : vector<512x1xi1> to vector<512x32xi1>
    %broadcast_in_dim3A_132 = vector.broadcast %jit3A_129 : f32 to vector<512x32xf32>
    %select_n3A_133 = arith.select %broadcast_in_dim3A_131, %get3A_128, %broadcast_in_dim3A_132 : vector<512x32xi1>, vector<512x32xf32>
    %add3A_134 = arith.addf %add3A_122, %select_n3A_133 : vector<512x32xf32>
    %eq3A_135 = arith.constant 3 : i32
    %eq3A_136 = vector.broadcast %eq3A_135 : i32 to vector<512x1xi32>
    %eq3A_137 = arith.cmpi eq, %get3A_99, %eq3A_136 : vector<512x1xi32>
    %get3A_138 = arith.constant 0 : index
    %get3A_139 = arith.constant 96 : index
    %get3A_140 = vector.load %arg2[%get3A_138, %get3A_139] : memref<512x128xf32, #tpu.memory_space<vmem>>, vector<512x32xf32>
    %jit3A_141 = arith.constant 0.000000e+00 : f32
    %broadcast_in_dim3A_142 = vector.shape_cast %eq3A_137 : vector<512x1xi1> to vector<512x1xi1>
    %broadcast_in_dim3A_143 = vector.broadcast %broadcast_in_dim3A_142 : vector<512x1xi1> to vector<512x32xi1>
    %broadcast_in_dim3A_144 = vector.broadcast %jit3A_141 : f32 to vector<512x32xf32>
    %select_n3A_145 = arith.select %broadcast_in_dim3A_143, %get3A_140, %broadcast_in_dim3A_144 : vector<512x32xi1>, vector<512x32xf32>
    %add3A_146 = arith.addf %add3A_134, %select_n3A_145 : vector<512x32xf32>
    %dot_general3A_147 = arith.constant dense<0.000000e+00> : vector<1024x512xf32>
    %dot_general3A_148 = tpu.matmul %convert_element_type3A_47, %add3A_146, %dot_general3A_147 {dimension_numbers = #tpu.dot_dimension_numbers<[1], [1], [0], [0], [0, 0, 1, 0], [], []>, transpose_lhs_hint = false} : vector<1024x32xf32>, vector<512x32xf32>, vector<1024x512xf32> -> vector<1024x512xf32>
    %mul3A = arith.mulf %dot_general3A_96, %dot_general3A_148 : vector<1024x512xf32>
    %swap3A = arith.constant 0 : index
    %swap3A_149 = arith.constant 0 : index
    %swap3A_150 = vector.load %arg7[%swap3A, %swap3A_149] : memref<1024x512xf32, #tpu.memory_space<vmem>>, vector<1024x512xf32>
    tpu.vector_store %arg7[%swap3A, %swap3A_149], %mul3A {strides = array<i32>} : memref<1024x512xf32, #tpu.memory_space<vmem>>, vector<1024x512xf32>,
    %get3A_151 = arith.constant 0 : index
    %get3A_152 = arith.constant 0 : index
    %get3A_153 = vector.load %arg6[%get3A_151, %get3A_152] : memref<512x1xi32, #tpu.memory_space<vmem>>, vector<512x1xi32>
    %eq3A_154 = arith.constant 0 : i32
    %eq3A_155 = vector.broadcast %eq3A_154 : i32 to vector<512x1xi32>
    %eq3A_156 = arith.cmpi eq, %get3A_153, %eq3A_155 : vector<512x1xi32>
    %get3A_157 = arith.constant 0 : index
    %get3A_158 = arith.constant 0 : index
    %get3A_159 = vector.load %arg3[%get3A_157, %get3A_158] : memref<512x128xf32, #tpu.memory_space<vmem>>, vector<512x32xf32>
    %jit3A_160 = arith.constant 0.000000e+00 : f32
    %broadcast_in_dim3A_161 = vector.shape_cast %eq3A_156 : vector<512x1xi1> to vector<512x1xi1>
    %broadcast_in_dim3A_162 = vector.broadcast %broadcast_in_dim3A_161 : vector<512x1xi1> to vector<512x32xi1>
    %broadcast_in_dim3A_163 = vector.broadcast %jit3A_160 : f32 to vector<512x32xf32>
    %select_n3A_164 = arith.select %broadcast_in_dim3A_162, %get3A_159, %broadcast_in_dim3A_163 : vector<512x32xi1>, vector<512x32xf32>
    %eq3A_165 = arith.constant 1 : i32
    %eq3A_166 = vector.broadcast %eq3A_165 : i32 to vector<512x1xi32>
    %eq3A_167 = arith.cmpi eq, %get3A_153, %eq3A_166 : vector<512x1xi32>
    %get3A_168 = arith.constant 0 : index
    %get3A_169 = arith.constant 32 : index
    %get3A_170 = vector.load %arg3[%get3A_168, %get3A_169] : memref<512x128xf32, #tpu.memory_space<vmem>>, vector<512x32xf32>
    %jit3A_171 = arith.constant 0.000000e+00 : f32
    %broadcast_in_dim3A_172 = vector.shape_cast %eq3A_167 : vector<512x1xi1> to vector<512x1xi1>
    %broadcast_in_dim3A_173 = vector.broadcast %broadcast_in_dim3A_172 : vector<512x1xi1> to vector<512x32xi1>
    %broadcast_in_dim3A_174 = vector.broadcast %jit3A_171 : f32 to vector<512x32xf32>
    %select_n3A_175 = arith.select %broadcast_in_dim3A_173, %get3A_170, %broadcast_in_dim3A_174 : vector<512x32xi1>, vector<512x32xf32>
    %add3A_176 = arith.addf %select_n3A_164, %select_n3A_175 : vector<512x32xf32>
    %eq3A_177 = arith.constant 2 : i32
    %eq3A_178 = vector.broadcast %eq3A_177 : i32 to vector<512x1xi32>
    %eq3A_179 = arith.cmpi eq, %get3A_153, %eq3A_178 : vector<512x1xi32>
    %get3A_180 = arith.constant 0 : index
    %get3A_181 = arith.constant 64 : index
    %get3A_182 = vector.load %arg3[%get3A_180, %get3A_181] : memref<512x128xf32, #tpu.memory_space<vmem>>, vector<512x32xf32>
    %jit3A_183 = arith.constant 0.000000e+00 : f32
    %broadcast_in_dim3A_184 = vector.shape_cast %eq3A_179 : vector<512x1xi1> to vector<512x1xi1>
    %broadcast_in_dim3A_185 = vector.broadcast %broadcast_in_dim3A_184 : vector<512x1xi1> to vector<512x32xi1>
    %broadcast_in_dim3A_186 = vector.broadcast %jit3A_183 : f32 to vector<512x32xf32>
    %select_n3A_187 = arith.select %broadcast_in_dim3A_185, %get3A_182, %broadcast_in_dim3A_186 : vector<512x32xi1>, vector<512x32xf32>
    %add3A_188 = arith.addf %add3A_176, %select_n3A_187 : vector<512x32xf32>
    %eq3A_189 = arith.constant 3 : i32
    %eq3A_190 = vector.broadcast %eq3A_189 : i32 to vector<512x1xi32>
    %eq3A_191 = arith.cmpi eq, %get3A_153, %eq3A_190 : vector<512x1xi32>
    %get3A_192 = arith.constant 0 : index
    %get3A_193 = arith.constant 96 : index
    %get3A_194 = vector.load %arg3[%get3A_192, %get3A_193] : memref<512x128xf32, #tpu.memory_space<vmem>>, vector<512x32xf32>
    %jit3A_195 = arith.constant 0.000000e+00 : f32
    %broadcast_in_dim3A_196 = vector.shape_cast %eq3A_191 : vector<512x1xi1> to vector<512x1xi1>
    %broadcast_in_dim3A_197 = vector.broadcast %broadcast_in_dim3A_196 : vector<512x1xi1> to vector<512x32xi1>
    %broadcast_in_dim3A_198 = vector.broadcast %jit3A_195 : f32 to vector<512x32xf32>
    %select_n3A_199 = arith.select %broadcast_in_dim3A_197, %get3A_194, %broadcast_in_dim3A_198 : vector<512x32xi1>, vector<512x32xf32>
    %add3A_200 = arith.addf %add3A_188, %select_n3A_199 : vector<512x32xf32>
    %dot_general3A_201 = arith.constant dense<0.000000e+00> : vector<1024x512xf32>
    %dot_general3A_202 = tpu.matmul %convert_element_type3A_47, %add3A_200, %dot_general3A_201 {dimension_numbers = #tpu.dot_dimension_numbers<[1], [1], [0], [0], [0, 0, 1, 0], [], []>, transpose_lhs_hint = false} : vector<1024x32xf32>, vector<512x32xf32>, vector<1024x512xf32> -> vector<1024x512xf32>
    %mul3A_203 = arith.mulf %dot_general3A_96, %dot_general3A_202 : vector<1024x512xf32>
    %swap3A_204 = arith.constant 0 : index
    %swap3A_205 = arith.constant 0 : index
    %swap3A_206 = vector.load %arg8[%swap3A_204, %swap3A_205] : memref<1024x512xf32, #tpu.memory_space<vmem>>, vector<1024x512xf32>
    tpu.vector_store %arg8[%swap3A_204, %swap3A_205], %mul3A_203 {strides = array<i32>} : memref<1024x512xf32, #tpu.memory_space<vmem>>, vector<1024x512xf32>,
    return
  }
  func.func @transform_0(%arg0: i32) -> (i32, i32) {
    %c0_i32 = arith.constant 0 : i32
    %c0_i32_0 = arith.constant 0 : i32
    return %arg0, %c0_i32 : i32, i32
  }
  func.func @transform_1(%arg0: i32) -> (i32, i32) {
    %c0_i32 = arith.constant 0 : i32
    %c0_i32_0 = arith.constant 0 : i32
    return %arg0, %c0_i32 : i32, i32
  }
  func.func @transform_2(%arg0: i32) -> (i32, i32) {
    %c0_i32 = arith.constant 0 : i32
    %c0_i32_0 = arith.constant 0 : i32
    return %arg0, %c0_i32 : i32, i32
  }
  func.func @transform_3(%arg0: i32) -> (i32, i32) {
    %c0_i32 = arith.constant 0 : i32
    %c0_i32_0 = arith.constant 0 : i32
    return %arg0, %c0_i32 : i32, i32
  }
  func.func @transform_4(%arg0: i32) -> (i32, i32) {
    %c0_i32 = arith.constant 0 : i32
    %c0_i32_0 = arith.constant 0 : i32
    return %arg0, %c0_i32 : i32, i32
  }
  func.func @transform_5(%arg0: i32) -> (i32, i32) {
    %c0_i32 = arith.constant 0 : i32
    %c0_i32_0 = arith.constant 0 : i32
    return %arg0, %c0_i32 : i32, i32
  }
  func.func @transform_6(%arg0: i32) -> (i32, i32) {
    %c0_i32 = arith.constant 0 : i32
    %c0_i32_0 = arith.constant 0 : i32
    return %c0_i32, %arg0 : i32, i32
  }
  func.func @transform_7(%arg0: i32) -> (i32, i32) {
    %c0_i32 = arith.constant 0 : i32
    %c0_i32_0 = arith.constant 0 : i32
    return %c0_i32, %arg0 : i32, i32
  }
}

</mosaic_0001>

<sc_bundles>
// kernel: kernel.6.cloned.1.call-start
scs
__scs_entry_jumppad:
0x0: {  	(pc) =	sbr.rel $0x88, $3  }
0x1: {  	(tag) =	ssettag $0x0;
	lr =	simm.s32 $0x1  }
0x2: {  	[smem:$0x3F9C] =	sst lr;
	_ =	strace $0xD0000000  }
0x3: {  	_ = 	snop  }
0x4: {  	_ = 	snop  }
0x5: {  	_ = 	snop  }
0x6: {  	_ = 	snop  }
0x7: {  	_ = 	snop  }
__scs_overlays_trampoline_lowered:
0x8: {  	[smem:$0x3FAB] =	sst s0  }
0x9: {  	[smem:$0x3FAC] =	sst s1  }
0xa: {  	[smem:$0x3FAD] =	sst s2  }
0xb: {  	[smem:$0x3FAE] =	sst s3  }
0xc: {  	[smem:$0x3FAF] =	sst s4  }
0xd: {  	[smem:$0x3FB0] =	sst s5  }
0xe: {  	[smem:$0x3FB1] =	sst s6  }
0xf: {  	[smem:$0x3FB2] =	sst s7  }
0x10: {  	[smem:$0x3FB3] =	sst s8  }
0x11: {  	[smem:$0x3FB4] =	sst s9;
	s0 =	simm.s32 @!p0 $0x0  }
0x12: {  	s1 =	sld [smem:$0x3F9A];
	s0 =	simm.s32 @p0 $0x1  }
0x13: {  	[smem:$0x3FB5] =	sst s0;
	s0 =	simm.s32 @!p1 $0x0  }
0x14: {  	s2 =	sld [smem:$0x3F99];
	s0 =	simm.s32 @p1 $0x1  }
0x15: {  	[smem:$0x3FB6] =	sst s0;
	s0 =	simm.s32 @!p2 $0x0  }
0x16: {  	s3 =	sld [smem:$0x3FDB];
	s0 =	simm.s32 @p2 $0x1  }
0x17: {  	s4 =	simm.s32 $0x1BF5;
	[smem:$0x3FB8] =	sst s0  }
0x18: {  	s0 =	sld [smem:$0x3F9B];
	_ =	swait.ge [sflag:s4], $0x0  }
0x19: {  	s7 =	sld [smem:$0x3F9C]  }
0x1a: {  	s8 =	sadd.s32 $0xFFFFE003, lr  }
0x1b: {  	s9 =	sadd.s32 $0xFFFFFEF7, lr;
	s5 =	simm.s32 $0xFFFFFFFF;
	p2 =	slt.u32 s8, $0xFFFFF086  }
0x1c: {  	p1 =	slt.u32 s9, $0xF7A;
	s5 =	simm.s32 @!p2 $0x0  }
0x1d: {  	s5 =	simm.s32 @p1 $0x1;
	p0 =	seq.s32 s7, s2  }
0x1e: {  	s7 =	smul.u32 @!p0 $0xF7A, s2;
	p2 =	seq.s32 @!p0 s5, $0x0  }
0x1f: {  	s9 =	smul.u32 $0xF7A, s1;
	s8 =	simm.s32 @!p0 $0x1BF5;
	p2 =	por !p2, p0  }
0x20: {  	[sflag:s8] =	ssyncset.s32 @!p0 $0xFFFFF086;
	s6 =	sadd.s32 @!p0 s3, s7;
	s7 =	simm.s32 @!p0 $0x108  }
0x21: {  	s3 =	sadd.s32 s3, s9;
	s6 =	sadd.s32 @!p0 $0x88, s6;
	s7 =	simm.s32 @p2 $0x1082  }
0x22: {  	[simem:s7], [sflag:s8] =	dma.local @!p0 [hbm:s6], $0xF7A  }
0x23: {  	s9 =	sor.u32 $0xD0000000, s2;
	s6 =	simm.s32 $0x108;
	_ =	swait.ge @!p0 [sflag:s8], $0x0  }
0x24: {  	s3 =	sadd.s32 $0x88, s3;
	s6 =	simm.s32 @!p1 $0x1082;
	[sflag:s4] =	ssyncset.s32 $0xFFFFF086  }
0x25: {  	[simem:s6], [sflag:s4] =	dma.local [hbm:s3], $0xF7A  }
0x26: {  	[smem:$0x3F9C] =	sst s1;
	(tag) =	ssettag s2;
	_ =	strace s9  }
0x27: {  	s1 =	sld [smem:$0x3FAC]  }
0x28: {  	s2 =	sld [smem:$0x3FAD]  }
0x29: {  	s4 =	sld [smem:$0x3FAF]  }
0x2a: {  	p0 =	seq.s32 s5, $0x0;
	s5 =	sld [smem:$0x3FB0]  }
0x2b: {  	s6 =	sld [smem:$0x3FB1]  }
0x2c: {  	s7 =	sld [smem:$0x3FB2]  }
0x2d: {  	s3 =	simm.s32 $0x108;
	s8 =	sld [smem:$0x3FB3]  }
0x2e: {  	s3 =	simm.s32 @!p0 $0x1082;
	s9 =	sld [smem:$0x3FB4]  }
0x2f: {  	lr =	sadd.s32 s0, s3;
	s0 =	sld [smem:$0x3FAB]  }
0x30: {  	s3 =	sld [smem:$0x3FAE]  }
0x31: {  	[smem:$0x3FB7] =	sst s10  }
0x32: {  	s10 =	sld [smem:$0x3FB5];
	_ =	sdelay $0x3  }
0x33: {  	p0 =	seq.s32 s10, $0x1;
	s10 =	sld [smem:$0x3FB7];
	_ =	sdelay $0x3  }
0x34: {  	[smem:$0x3FB7] =	sst s10  }
0x35: {  	s10 =	sld [smem:$0x3FB6];
	_ =	sdelay $0x3  }
0x36: {  	p1 =	seq.s32 s10, $0x1;
	s10 =	sld [smem:$0x3FB7];
	_ =	sdelay $0x3  }
0x37: {  	[smem:$0x3FB7] =	sst s10  }
0x38: {  	s10 =	sld [smem:$0x3FB8]  }
0x39: {  	_ = 	snop;
	(pc) =	sbr.ind lr, $3  }
0x3a: {  	_ = 	snop  }
0x3b: {  	_ = 	snop  }
0x3c: {  	p2 =	seq.s32 s10, $0x1;
	s10 =	sld [smem:$0x3FB7]  }
0x3d: {  	_ =	shalt  }
0x3e: {  	_ =	shalt  }
0x3f: {  	_ =	shalt  }
0x40: {  	_ =	shalt  }
0x41: {  	_ =	shalt  }
0x42: {  	_ =	shalt  }
0x43: {  	_ =	shalt  }
0x44: {  	_ =	shalt  }
0x45: {  	_ =	shalt  }
0x46: {  	_ =	shalt  }
0x47: {  	_ =	shalt  }
0x48: {  	_ =	shalt  }
0x49: {  	_ =	shalt  }
0x4a: {  	_ =	shalt  }
0x4b: {  	_ =	shalt  }
0x4c: {  	_ =	shalt  }
0x4d: {  	_ =	shalt  }
0x4e: {  	_ =	shalt  }
0x4f: {  	_ =	shalt  }
0x50: {  	_ =	shalt  }
0x51: {  	_ =	shalt  }
0x52: {  	_ =	shalt  }
0x53: {  	_ =	shalt  }
0x54: {  	_ =	shalt  }
0x55: {  	_ =	shalt  }
0x56: {  	_ =	shalt  }
0x57: {  	_ =	shalt  }
0x58: {  	_ =	shalt  }
0x59: {  	_ =	shalt  }
0x5a: {  	_ =	shalt  }
0x5b: {  	_ =	shalt  }
0x5c: {  	_ =	shalt  }
0x5d: {  	_ =	shalt  }
0x5e: {  	_ =	shalt  }
0x5f: {  	_ =	shalt  }
0x60: {  	_ =	shalt  }
0x61: {  	_ =	shalt  }
0x62: {  	_ =	shalt  }
0x63: {  	_ =	shalt  }
0x64: {  	_ =	shalt  }
0x65: {  	_ =	shalt  }
0x66: {  	_ =	shalt  }
0x67: {  	_ =	shalt  }
0x68: {  	_ =	shalt  }
0x69: {  	_ =	shalt  }
0x6a: {  	_ =	shalt  }
0x6b: {  	_ =	shalt  }
0x6c: {  	_ =	shalt  }
0x6d: {  	_ =	shalt  }
0x6e: {  	_ =	shalt  }
0x6f: {  	_ =	shalt  }
0x70: {  	_ =	shalt  }
0x71: {  	_ =	shalt  }
0x72: {  	_ =	shalt  }
0x73: {  	_ =	shalt  }
0x74: {  	_ =	shalt  }
0x75: {  	_ =	shalt  }
0x76: {  	_ =	shalt  }
0x77: {  	_ =	shalt  }
0x78: {  	_ =	shalt  }
0x79: {  	_ =	shalt  }
0x7a: {  	_ =	shalt  }
0x7b: {  	_ =	shalt  }
0x7c: {  	_ =	shalt  }
0x7d: {  	_ =	shalt  }
0x7e: {  	_ =	shalt  }
0x7f: {  	_ =	shalt  }
0x80: {  	_ =	shalt  }
0x81: {  	_ =	shalt  }
0x82: {  	_ =	shalt  }
0x83: {  	_ =	shalt  }
0x84: {  	_ =	shalt  }
0x85: {  	_ =	shalt  }
0x86: {  	_ =	shalt  }
0x87: {  	_ =	shalt  }
.Lfunc_end0:
.L_simem_size_0:
called_computation_lowered:
.L_overlay_start_0:
0x88: {  	s2 =	sld [smem:$0x3FD9]  }
0x89: {  	s3 =	sld [smem:$0x3FFE];
	_ =	sdelay $0x1  }
0x8a: {  	s1 =	srdreg.scid  }
0x8b: {  	s0 =	sand.u32 $0x1, s1  }
0x8c: {  	s14 =	sshll.u32 s0, $0xA;
	s2 =	sadd.s32 s3, s2  }
0x8d: {  	s2 =	sadd.s32 s2, s14  }
0x8e: {  	[smem:$0x3FC3] =	sst s2  }
0x8f: {  	_ = 	snop  }
0x90: {  	s2 =	sld [smem:$0x3FD0];
	_ =	sdelay $0x2  }
0x91: {  	s15 =	simm.s32 $0xA;
	s4 =	simm.s32 $0x10  }
0x92: {  	[smem:s4], [sflag:s15] =	dma.local [hbm:s2], $0x1  }
0x93: {  	_ =	swait.eq [sflag:s15], $0x1  }
0x94: {  	[sflag:s15] =	ssyncset.done $0x0  }
0x95: {  	s16 =	sld [smem:$0x10];
	[sflag:s15] =	ssyncadd.s32 $0xFFFFFFFF  }
0x96: {  	s17 =	sld [smem:$0x11];
	(tm) =	ssettm $0x1  }
0x97: {  	s18 =	sld [smem:$0x3FFB];
	_ =	sdelay $0x3  }
0x98: {  	_ =	strace s18  }
0x99: {  	s4 =	sld [smem:$0x3FFC];
	_ =	sdelay $0x3  }
0x9a: {  	_ =	strace s4  }
0x9b: {  	s4 =	sld [smem:$0x3FFD];
	_ =	sdelay $0x3  }
0x9c: {  	_ =	strace s4  }
0x9d: {  	_ =	strace $0x8FFFFFFF  }
0x9e: {  	s19 =	sld [smem:$0x3FDB];
	_ =	sdelay $0x1  }
0x9f: {  	s5 =	simm.s32 $_scs_section_size  }
0xa0: {  	s6 =	simm.s32 $_size__tile_overlayer_lowered;
	s7 =	simm.s32 $_tile_overlayer_lowered  }
0xa1: {  	s22 =	simm.s32 $0x1BFF;
	s21 =	sshll.u32 s7, $0x1;
	s4 =	sadd.s32 s5, s19  }
0xa2: {  	s8 =	simm.s32 $0x0;
	s20 =	sshll.u32 s6, $0x1;
	s6 =	sadd.s32 s21, s4  }
0xa3: {  	[timem:s8], [sflag:s22] =	dma.local [hbm:s6], s20  }
0xa4: {  	_ =	swait.ge [sflag:s22], s20  }
0xa5: {  	s5 =	ssub.s32 $0x0, s20;
	[sflag:s22] =	ssyncset.done $0x0  }
0xa6: {  	[sflag:s22] =	ssyncadd.s32 s5;
	_ =	sdelay $0x1  }
0xa7: {  	s23 =	simm.s32 $0x1B8B  }
0xa8: {  	_ =	swait.ge [sflag:s23], $0x1  }
0xa9: {  	[sflag:s23] =	ssyncset.done $0x0  }
0xaa: {  	s25 =	simm.s32 $0x1B8E;
	s24 =	sld [smem:$0x3FFE];
	[sflag:s23] =	ssyncadd.s32 $0xFFFFFFFF  }
0xab: {  	s26 =	simm.s32 $execute0_lowered;
	[smem:$0x3FD2] =	sst s25  }
0xac: {  	s6 =	sshll.u32 s26, $0x1;
	_ =	strace $0x80000046;
	[dreg:$0x1] =	wrdreg $0xFFFFFFFF  }
0xad: {  	s28 =	simm.s32 $_size_execute0_lowered;
	s4 =	sadd.s32 s4, s6;
	[dreg:$0x0] =	wrdreg $0x0  }
0xae: {  	s6 =	sshll.u32 s28, $0x1;
	[dreg:$0x2] =	wrdreg s4  }
0xaf: {  	[dreg:$0x3] =	wrdreg s6  }
0xb0: {  	[dreg:$0x4] =	wrdreg $0xC0  }
0xb1: {  	_ =	task [dreg:s8], $0x5FFFF  }
0xb2: {  	[dreg:$0x1] =	wrdreg $0xFFFFFFFF  }
0xb3: {  	[dreg:$0x0] =	wrdreg $0x60  }
0xb4: {  	[dreg:$0x2] =	wrdreg s24  }
0xb5: {  	[dreg:$0x3] =	wrdreg s17  }
0xb6: {  	[dreg:$0x4] =	wrdreg s16  }
0xb7: {  	[dreg:$0x5] =	wrdreg $0x9  }
0xb8: {  	_ =	task.clear_ibuf [dreg:s8], $0x6FFFF;
	_ =	strace $0x90000046  }
0xb9: {  	s29 =	simm.s32 $0x9;
	_ =	strace $0x80000048  }
0xba: {  	_ =	swait.ge [sflag:s29], $0x1  }
0xbb: {  	[sflag:s29] =	ssyncadd.s32 $0xFFFFFFFF  }
0xbc: {  	_ =	strace $0x90000048  }
0xbd: {  	_ =	sfence  }
0xbe: {  	s30 =	sld [smem:$0x0];
	_ =	sdelay $0x2  }
0xbf: {  	s31 =	sshll.u32 s1, $0xD;
	s1 =	sshrl.u32 s1, $0x2  }
0xc0: {  	s3 =	sand.u32 $0x4000, s31;
	s1 =	sadd.s32 s1, s30  }
0xc1: {  	s0 =	sor.u32 s3, s0;
	s1 =	sshll.u32 s1, $0x11  }
0xc2: {  	s0 =	sor.u32 s1, s0  }
0xc3: {  	s0 =	sadd.s32 $0x8F2B, s0  }
0xc4: {  	[sflag:s0] =	ssyncadd.remote.s32 $0x1  }
0xc5: {  	_ =	sfence.sel $0xFFFF  }
0xc6: {  	[dreg:$0x0] =	wrdreg $0xFFFFFFFF;
	(pc) =	sbr.abs _section_cstart, $3  }
0xc7: {  	[dreg:$0x1] =	wrdreg $0xFFFFFFFF  }
0xc8: {  	_ =	task.clear_ibuf [dreg:s8], $0x2FFFF;
	_ =	strace $0x9FFFFFFF  }
0xc9: {  	(tm) =	ssettm $0x7FFFFFFF  }
tec
execute0_lowered:
.L_overlay_start_1:
0x0: {  	(tag) =	ssettag $0x1  }
0x1: {  	s0 =	rddreg [dreg:$0x0]  }
0x2: {  	s1 =	srdreg.scid;
	s3 =	rddreg [dreg:$0x1]  }
0x3: {  	s7 =	stileid.u32;
	s4 =	rddreg [dreg:$0x2]  }
0x4: {  	s2 =	simm.s32 $0x0;
	s31 =	simm.s32 $0x9;
	s30 =	simm.s32 $0x100  }
0x5: {  	s29 =	simm.s32 $0x180;
	s11 =	simm.s32 $0xC600;
	s12 =	simm.s32 $0x4  }
0x6: {  	s10 =	simm.s32 $0x5;
	s28 =	simm.s32 $0x280;
	p0 =	por $0x0, $0x0  }
0x7: {  	s1 =	sand.u32 $0x1, s1;
	s5 =	sshll.u32 s7, $0x7;
	[smem:$0x7FF] =	sst s2  }
0x8: {  	s7 =	sshll.u32 s7, $0xE;
	s23 =	sadd.s32 $0x1E00, s0;
	s6 =	sshll.u32 s1, $0x6  }
0x9: {  	_ =	strace $0x80000047;
	s8 =	sshll.u32 s1, $0xD;
	s1 =	ssub.s32 $0x2, s1  }
0xa: {  	s5 =	sor.u32 s6, s5;
	s15 =	sor.u32 s8, s7;
	s24 =	sshrl.u32 s1, $0x1  }
0xb: {  	s6 =	simm.s32 $0x80;
	s5 =	sadd.s32 s5, s0;
	s16 =	sadd.s32 s3, s15  }
0xc: {  	s7 =	sor.u32 $0x800, s15;
	s19 =	sadd.s32 s4, s15;
	[dreg:$0x7] =	wrdreg s16  }
0xd: {  	s8 =	sor.u32 $0x1000, s15;
	s13 =	sadd.s32 $0x7C2600, s5;
	[dreg:$0xb] =	wrdreg s19  }
0xe: {  	s9 =	sor.u32 $0x1800, s15;
	s14 =	sadd.s32 $0x7C2E00, s5;
	[dreg:$0x4] =	wrdreg s13  }
0xf: {  	s1 =	ssub.s32 s1, s24;
	s5 =	sadd.s32 $0x7C1E00, s5;
	[dreg:$0x5] =	wrdreg s14  }
0x10: {  	s24 =	simm.s32 $0x380;
	s17 =	sadd.s32 s3, s7;
	[dreg:$0x6] =	wrdreg s5  }
0x11: {  	s18 =	sadd.s32 s3, s8;
	s3 =	sadd.s32 s3, s9;
	[dreg:$0x8] =	wrdreg s17  }
0x12: {  	s20 =	sadd.s32 s4, s7;
	s21 =	sadd.s32 s4, s8;
	[dreg:$0x9] =	wrdreg s18  }
0x13: {  	s4 =	sadd.s32 s4, s9;
	s26 =	smax.u32 s1, $0x1;
	[dreg:$0xa] =	wrdreg s3  }
0x14: {  	s19 =	simm.s32 $0x1;
	s16 =	simm.s32 $0x2;
	[dreg:$0xc] =	wrdreg s20  }
0x15: {  	s3 =	sadd.s32 $0x3E1E00, s0;
	s0 =	sadd.s32 $0x7C3600, s0;
	[dreg:$0xd] =	wrdreg s21  }
0x16: {  	[dreg:$0xe] =	wrdreg s4;
	s20 =	simm.s32 $0x400;
	s17 =	simm.s32 $0x600  }
0x17: {  	s13 =	simm.s32 $0x8600;
	s14 =	simm.s32 $0x3;
	p1 =	sne.s32 s26, $0x1  }
0x18: {  	s1 =	sadd.s32 $0xFFFFFFFF, s26;
	s26 =	simm.s32 $0x300;
	s21 =	simm.s32 $0x500  }
.Ltmp0:
0x19: {  	s18 =	simm.s32 $0x580;
	s22 =	sadd.s32 s0, s15;
	(pc) =	sbr.rel @!p1 .LBB2_3-.Ltmp0, $4  }
0x1a: {  	s25 =	sadd.s32 s0, s7;
	s5 =	sadd.s32 s0, s8;
	s4 =	sadd.s32 s0, s9  }
0x1b: {  	s15 =	simm.s32 $0x4600;
	s8 =	simm.s32 $0x6;
	s0 =	rddreg [dreg:$0x4]  }
0x1c: {  	s7 =	simm.s32 $0x7;
	s9 =	simm.s32 $0x8;
	[dreg:$0xf] =	wrdreg s22  }
0x1d: {  	[dreg:$0x10] =	wrdreg s25;
	s25 =	simm.s32 $0x200;
	s22 =	simm.s32 $0x480  }
0x1e: {  	[tilespmem:s2], [sflag:$0x9] =	stream.linear.gather [hbm4b:s0+s2], $0x200, $0x38;
	[tilespmem:$0x10600] =	vst v63  }
0x1f: {  	_ =	swait.ge [sflag:s31], $0x200  }
0x20: {  	[sflag:s31] =	ssyncset.done $0x0  }
0x21: {  	s0 =	rddreg [dreg:$0x5];
	[sflag:s31] =	ssyncadd.s32 $0xFFFFFE00  }
0x22: {  	[tilespmem:s25], [sflag:$0x9] =	stream.linear.gather [hbm4b:s0+s2], $0x200, $0x38;
	[tilespmem:$0x10600] =	vst v63  }
0x23: {  	_ =	swait.ge [sflag:s31], $0x200  }
0x24: {  	[sflag:s31] =	ssyncset.done $0x0  }
0x25: {  	s0 =	rddreg [dreg:$0x6];
	[sflag:s31] =	ssyncadd.s32 $0xFFFFFE00  }
0x26: {  	[tilespmem:s20], [sflag:$0x9] =	stream.linear.gather [hbm4b:s0+s2], $0x200, $0x38;
	[tilespmem:$0x10600] =	vst v63  }
0x27: {  	_ =	swait.ge [sflag:s31], $0x200  }
0x28: {  	[sflag:s31] =	ssyncset.done $0x0  }
0x29: {  	[sflag:s31] =	ssyncadd.s32 $0xFFFFFE00  }
0x2a: {  	[tilespmem:s17], [sflag:$0x1] =	stream.indirect.gather [hbm4b:s23+s6], $0x80, s2, s6, $0xb8;
	[tilespmem:$0x10600] =	vst v63  }
0x2b: {  	_ =	swait.ge [sflag:s19], $0x4000  }
0x2c: {  	[sflag:s19] =	ssyncset.done $0x0  }
0x2d: {  	s0 =	rddreg [dreg:$0x7];
	[sflag:s19] =	ssyncadd.s32 $0xFFFFC000  }
0x2e: {  	[hbm4b:s0+s2] =	stream.linear.scatter [tilespmem:s17], [sflag:$0x5], $0x4000, $0x38;
	[tilespmem:$0x10600] =	vst v63  }
0x2f: {  	_ = 	snop  }
0x30: {  	[tilespmem:s15], [sflag:$0x2] =	stream.indirect.gather [hbm4b:s23+s6], $0x80, s6, s6, $0xb8;
	[tilespmem:$0x10600] =	vst v63  }
0x31: {  	_ =	swait.ge [sflag:s16], $0x4000  }
0x32: {  	[sflag:s16] =	ssyncset.done $0x0  }
0x33: {  	s0 =	rddreg [dreg:$0x8];
	[sflag:s16] =	ssyncadd.s32 $0xFFFFC000  }
0x34: {  	[hbm4b:s0+s2] =	stream.linear.scatter [tilespmem:s15], [sflag:$0x6], $0x4000, $0x38;
	[tilespmem:$0x10600] =	vst v63  }
0x35: {  	_ = 	snop  }
0x36: {  	[tilespmem:s13], [sflag:$0x3] =	stream.indirect.gather [hbm4b:s23+s6], $0x80, s30, s6, $0xb8;
	[tilespmem:$0x10600] =	vst v63  }
0x37: {  	_ =	swait.ge [sflag:s14], $0x4000  }
0x38: {  	[sflag:s14] =	ssyncset.done $0x0  }
0x39: {  	s0 =	rddreg [dreg:$0x9];
	[sflag:s14] =	ssyncadd.s32 $0xFFFFC000  }
0x3a: {  	[hbm4b:s0+s2] =	stream.linear.scatter [tilespmem:s13], [sflag:$0x7], $0x4000, $0x38;
	[tilespmem:$0x10600] =	vst v63  }
0x3b: {  	_ = 	snop  }
0x3c: {  	[tilespmem:s11], [sflag:$0x4] =	stream.indirect.gather [hbm4b:s23+s6], $0x80, s29, s6, $0xb8;
	[tilespmem:$0x10600] =	vst v63  }
0x3d: {  	_ =	swait.ge [sflag:s12], $0x4000  }
0x3e: {  	[sflag:s12] =	ssyncset.done $0x0  }
0x3f: {  	s0 =	rddreg [dreg:$0xa];
	[sflag:s12] =	ssyncadd.s32 $0xFFFFC000  }
0x40: {  	[hbm4b:s0+s2] =	stream.linear.scatter [tilespmem:s11], [sflag:$0x8], $0x4000, $0x38;
	[tilespmem:$0x10600] =	vst v63  }
0x41: {  	_ =	swait.ge [sflag:s10], $0x4000  }
0x42: {  	[sflag:s10] =	ssyncset.done $0x0  }
0x43: {  	[sflag:s10] =	ssyncadd.s32 $0xFFFFC000  }
0x44: {  	[tilespmem:s17], [sflag:$0x1] =	stream.indirect.gather [hbm4b:s3+s6], $0x80, s25, s6, $0xb8;
	[tilespmem:$0x10600] =	vst v63  }
0x45: {  	_ =	swait.ge [sflag:s19], $0x4000  }
0x46: {  	[sflag:s19] =	ssyncset.done $0x0  }
0x47: {  	s0 =	rddreg [dreg:$0xb];
	[sflag:s19] =	ssyncadd.s32 $0xFFFFC000  }
0x48: {  	[hbm4b:s0+s2] =	stream.linear.scatter [tilespmem:s17], [sflag:$0x5], $0x4000, $0x38;
	[tilespmem:$0x10600] =	vst v63  }
0x49: {  	_ =	swait.ge [sflag:s8], $0x4000  }
0x4a: {  	[sflag:s8] =	ssyncset.done $0x0  }
0x4b: {  	[sflag:s8] =	ssyncadd.s32 $0xFFFFC000  }
0x4c: {  	[tilespmem:s15], [sflag:$0x2] =	stream.indirect.gather [hbm4b:s3+s6], $0x80, s28, s6, $0xb8;
	[tilespmem:$0x10600] =	vst v63  }
0x4d: {  	_ =	swait.ge [sflag:s16], $0x4000  }
0x4e: {  	[sflag:s16] =	ssyncset.done $0x0  }
0x4f: {  	s0 =	rddreg [dreg:$0xc];
	[sflag:s16] =	ssyncadd.s32 $0xFFFFC000  }
0x50: {  	[hbm4b:s0+s2] =	stream.linear.scatter [tilespmem:s15], [sflag:$0x6], $0x4000, $0x38;
	[tilespmem:$0x10600] =	vst v63  }
0x51: {  	_ =	swait.ge [sflag:s7], $0x4000  }
0x52: {  	[sflag:s7] =	ssyncset.done $0x0  }
0x53: {  	[sflag:s7] =	ssyncadd.s32 $0xFFFFC000  }
0x54: {  	[tilespmem:s13], [sflag:$0x3] =	stream.indirect.gather [hbm4b:s3+s6], $0x80, s26, s6, $0xb8;
	[tilespmem:$0x10600] =	vst v63  }
0x55: {  	_ =	swait.ge [sflag:s14], $0x4000  }
0x56: {  	[sflag:s14] =	ssyncset.done $0x0  }
0x57: {  	s0 =	rddreg [dreg:$0xd];
	[sflag:s14] =	ssyncadd.s32 $0xFFFFC000  }
0x58: {  	[hbm4b:s0+s2] =	stream.linear.scatter [tilespmem:s13], [sflag:$0x7], $0x4000, $0x38;
	[tilespmem:$0x10600] =	vst v63  }
0x59: {  	_ =	swait.ge [sflag:s9], $0x4000  }
0x5a: {  	[sflag:s9] =	ssyncset.done $0x0  }
0x5b: {  	[sflag:s9] =	ssyncadd.s32 $0xFFFFC000  }
0x5c: {  	[tilespmem:s11], [sflag:$0x4] =	stream.indirect.gather [hbm4b:s3+s6], $0x80, s24, s6, $0xb8;
	[tilespmem:$0x10600] =	vst v63  }
0x5d: {  	_ =	swait.ge [sflag:s12], $0x4000  }
0x5e: {  	[sflag:s12] =	ssyncset.done $0x0  }
0x5f: {  	s0 =	rddreg [dreg:$0xe];
	[sflag:s12] =	ssyncadd.s32 $0xFFFFC000  }
0x60: {  	[hbm4b:s0+s2] =	stream.linear.scatter [tilespmem:s11], [sflag:$0x8], $0x4000, $0x38;
	[tilespmem:$0x10600] =	vst v63  }
0x61: {  	_ =	swait.ge [sflag:s10], $0x4000  }
0x62: {  	[sflag:s10] =	ssyncset.done $0x0  }
0x63: {  	[sflag:s10] =	ssyncadd.s32 $0xFFFFC000  }
0x64: {  	[tilespmem:s17], [sflag:$0x1] =	stream.indirect.gather [hbm4b:s3+s6], $0x80, s20, s6, $0xb8;
	[tilespmem:$0x10600] =	vst v63  }
0x65: {  	_ =	swait.ge [sflag:s19], $0x4000  }
0x66: {  	[sflag:s19] =	ssyncset.done $0x0  }
0x67: {  	s0 =	rddreg [dreg:$0xf];
	[sflag:s19] =	ssyncadd.s32 $0xFFFFC000  }
0x68: {  	[hbm4b:s0+s2] =	stream.linear.scatter [tilespmem:s17], [sflag:$0x5], $0x4000, $0x38;
	[tilespmem:$0x10600] =	vst v63  }
0x69: {  	_ =	swait.ge [sflag:s8], $0x4000  }
0x6a: {  	[sflag:s8] =	ssyncset.done $0x0  }
0x6b: {  	[sflag:s8] =	ssyncadd.s32 $0xFFFFC000  }
0x6c: {  	[tilespmem:s15], [sflag:$0x2] =	stream.indirect.gather [hbm4b:s3+s6], $0x80, s22, s6, $0xb8;
	[tilespmem:$0x10600] =	vst v63  }
0x6d: {  	_ =	swait.ge [sflag:s16], $0x4000  }
0x6e: {  	[sflag:s16] =	ssyncset.done $0x0  }
0x6f: {  	s0 =	rddreg [dreg:$0x10];
	[sflag:s16] =	ssyncadd.s32 $0xFFFFC000  }
0x70: {  	[hbm4b:s0+s2] =	stream.linear.scatter [tilespmem:s15], [sflag:$0x6], $0x4000, $0x38;
	[tilespmem:$0x10600] =	vst v63  }
0x71: {  	_ =	swait.ge [sflag:s7], $0x4000  }
0x72: {  	[sflag:s7] =	ssyncset.done $0x0  }
0x73: {  	[sflag:s7] =	ssyncadd.s32 $0xFFFFC000  }
0x74: {  	[tilespmem:s13], [sflag:$0x3] =	stream.indirect.gather [hbm4b:s3+s6], $0x80, s21, s6, $0xb8;
	[tilespmem:$0x10600] =	vst v63  }
0x75: {  	_ =	swait.ge [sflag:s14], $0x4000  }
0x76: {  	[sflag:s14] =	ssyncset.done $0x0  }
0x77: {  	[sflag:s14] =	ssyncadd.s32 $0xFFFFC000  }
0x78: {  	[hbm4b:s5+s2] =	stream.linear.scatter [tilespmem:s13], [sflag:$0x7], $0x4000, $0x38;
	[tilespmem:$0x10600] =	vst v63  }
0x79: {  	_ =	swait.ge [sflag:s9], $0x4000  }
0x7a: {  	[sflag:s9] =	ssyncset.done $0x0  }
0x7b: {  	[sflag:s9] =	ssyncadd.s32 $0xFFFFC000  }
0x7c: {  	[tilespmem:s11], [sflag:$0x4] =	stream.indirect.gather [hbm4b:s3+s6], $0x80, s18, s6, $0xb8;
	[tilespmem:$0x10600] =	vst v63  }
0x7d: {  	_ =	swait.ge [sflag:s12], $0x4000  }
0x7e: {  	[sflag:s12] =	ssyncset.done $0x0  }
0x7f: {  	[sflag:s12] =	ssyncadd.s32 $0xFFFFC000  }
0x80: {  	[hbm4b:s4+s2] =	stream.linear.scatter [tilespmem:s11], [sflag:$0x8], $0x4000, $0x38;
	[tilespmem:$0x10600] =	vst v63  }
0x81: {  	_ =	swait.ge [sflag:s10], $0x4000  }
0x82: {  	[sflag:s10] =	ssyncset.done $0x0  }
0x83: {  	[sflag:s10] =	ssyncadd.s32 $0xFFFFC000  }
0x84: {  	_ =	swait.ge [sflag:s8], $0x4000  }
0x85: {  	[sflag:s8] =	ssyncset.done $0x0  }
0x86: {  	p1 =	sne.s32 s1, $0x1;
	[sflag:s8] =	ssyncadd.s32 $0xFFFFC000  }
.Ltmp1:
0x87: {  	_ =	swait.ge [sflag:s7], $0x4000;
	(pc) =	sbr.rel @!p1 .LBB2_3-.Ltmp1, $4  }
0x88: {  	[sflag:s7] =	ssyncset.done $0x0  }
0x89: {  	[sflag:s7] =	ssyncadd.s32 $0xFFFFC000  }
0x8a: {  	s1 =	sadd.s32 $0xFFFFFFFF, s1;
	_ =	swait.ge [sflag:s9], $0x4000  }
0x8b: {  	p0 =	por $0x1, $0x1;
	s0 =	rddreg [dreg:$0x4];
	[sflag:s9] =	ssyncset.done $0x0  }
.LBB2_2:
0x8c: {  	[sflag:s9] =	ssyncadd.s32 $0xFFFFC000  }
0x8d: {  	[tilespmem:s2], [sflag:$0x9] =	stream.linear.gather [hbm4b:s0+s2], $0x200, $0x38;
	[tilespmem:$0x10600] =	vst v63  }
0x8e: {  	_ =	swait.ge [sflag:s31], $0x200  }
0x8f: {  	[sflag:s31] =	ssyncset.done $0x0  }
0x90: {  	s0 =	rddreg [dreg:$0x5];
	[sflag:s31] =	ssyncadd.s32 $0xFFFFFE00  }
0x91: {  	[tilespmem:s25], [sflag:$0x9] =	stream.linear.gather [hbm4b:s0+s2], $0x200, $0x38;
	[tilespmem:$0x10600] =	vst v63  }
0x92: {  	_ =	swait.ge [sflag:s31], $0x200  }
0x93: {  	[sflag:s31] =	ssyncset.done $0x0  }
0x94: {  	s0 =	rddreg [dreg:$0x6];
	[sflag:s31] =	ssyncadd.s32 $0xFFFFFE00  }
0x95: {  	[tilespmem:s20], [sflag:$0x9] =	stream.linear.gather [hbm4b:s0+s2], $0x200, $0x38;
	[tilespmem:$0x10600] =	vst v63  }
0x96: {  	_ =	swait.ge [sflag:s31], $0x200  }
0x97: {  	[sflag:s31] =	ssyncset.done $0x0  }
0x98: {  	[sflag:s31] =	ssyncadd.s32 $0xFFFFFE00  }
0x99: {  	[tilespmem:s17], [sflag:$0x1] =	stream.indirect.gather [hbm4b:s23+s6], $0x80, s2, s6, $0xb8;
	[tilespmem:$0x10600] =	vst v63  }
0x9a: {  	_ =	swait.ge [sflag:s19], $0x4000  }
0x9b: {  	[sflag:s19] =	ssyncset.done $0x0  }
0x9c: {  	s0 =	rddreg [dreg:$0x7];
	[sflag:s19] =	ssyncadd.s32 $0xFFFFC000  }
0x9d: {  	[hbm4b:s0+s2] =	stream.linear.scatter [tilespmem:s17], [sflag:$0x5], $0x4000, $0x38;
	[tilespmem:$0x10600] =	vst v63  }
0x9e: {  	_ = 	snop  }
0x9f: {  	[tilespmem:s15], [sflag:$0x2] =	stream.indirect.gather [hbm4b:s23+s6], $0x80, s6, s6, $0xb8;
	[tilespmem:$0x10600] =	vst v63  }
0xa0: {  	_ =	swait.ge [sflag:s16], $0x4000  }
0xa1: {  	[sflag:s16] =	ssyncset.done $0x0  }
0xa2: {  	s0 =	rddreg [dreg:$0x8];
	[sflag:s16] =	ssyncadd.s32 $0xFFFFC000  }
0xa3: {  	[hbm4b:s0+s2] =	stream.linear.scatter [tilespmem:s15], [sflag:$0x6], $0x4000, $0x38;
	[tilespmem:$0x10600] =	vst v63  }
0xa4: {  	_ = 	snop  }
0xa5: {  	[tilespmem:s13], [sflag:$0x3] =	stream.indirect.gather [hbm4b:s23+s6], $0x80, s30, s6, $0xb8;
	[tilespmem:$0x10600] =	vst v63  }
0xa6: {  	_ =	swait.ge [sflag:s14], $0x4000  }
0xa7: {  	[sflag:s14] =	ssyncset.done $0x0  }
0xa8: {  	s0 =	rddreg [dreg:$0x9];
	[sflag:s14] =	ssyncadd.s32 $0xFFFFC000  }
0xa9: {  	[hbm4b:s0+s2] =	stream.linear.scatter [tilespmem:s13], [sflag:$0x7], $0x4000, $0x38;
	[tilespmem:$0x10600] =	vst v63  }
0xaa: {  	_ = 	snop  }
0xab: {  	[tilespmem:s11], [sflag:$0x4] =	stream.indirect.gather [hbm4b:s23+s6], $0x80, s29, s6, $0xb8;
	[tilespmem:$0x10600] =	vst v63  }
0xac: {  	_ =	swait.ge [sflag:s12], $0x4000  }
0xad: {  	[sflag:s12] =	ssyncset.done $0x0  }
0xae: {  	s0 =	rddreg [dreg:$0xa];
	[sflag:s12] =	ssyncadd.s32 $0xFFFFC000  }
0xaf: {  	[hbm4b:s0+s2] =	stream.linear.scatter [tilespmem:s11], [sflag:$0x8], $0x4000, $0x38;
	[tilespmem:$0x10600] =	vst v63  }
0xb0: {  	_ =	swait.ge [sflag:s10], $0x4000  }
0xb1: {  	[sflag:s10] =	ssyncset.done $0x0  }
0xb2: {  	[sflag:s10] =	ssyncadd.s32 $0xFFFFC000  }
0xb3: {  	[tilespmem:s17], [sflag:$0x1] =	stream.indirect.gather [hbm4b:s3+s6], $0x80, s25, s6, $0xb8;
	[tilespmem:$0x10600] =	vst v63  }
0xb4: {  	_ =	swait.ge [sflag:s19], $0x4000  }
0xb5: {  	[sflag:s19] =	ssyncset.done $0x0  }
0xb6: {  	s0 =	rddreg [dreg:$0xb];
	[sflag:s19] =	ssyncadd.s32 $0xFFFFC000  }
0xb7: {  	[hbm4b:s0+s2] =	stream.linear.scatter [tilespmem:s17], [sflag:$0x5], $0x4000, $0x38;
	[tilespmem:$0x10600] =	vst v63  }
0xb8: {  	_ =	swait.ge [sflag:s8], $0x4000  }
0xb9: {  	[sflag:s8] =	ssyncset.done $0x0  }
0xba: {  	[sflag:s8] =	ssyncadd.s32 $0xFFFFC000  }
0xbb: {  	[tilespmem:s15], [sflag:$0x2] =	stream.indirect.gather [hbm4b:s3+s6], $0x80, s28, s6, $0xb8;
	[tilespmem:$0x10600] =	vst v63  }
0xbc: {  	_ =	swait.ge [sflag:s16], $0x4000  }
0xbd: {  	[sflag:s16] =	ssyncset.done $0x0  }
0xbe: {  	s0 =	rddreg [dreg:$0xc];
	[sflag:s16] =	ssyncadd.s32 $0xFFFFC000  }
0xbf: {  	[hbm4b:s0+s2] =	stream.linear.scatter [tilespmem:s15], [sflag:$0x6], $0x4000, $0x38;
	[tilespmem:$0x10600] =	vst v63  }
0xc0: {  	_ =	swait.ge [sflag:s7], $0x4000  }
0xc1: {  	[sflag:s7] =	ssyncset.done $0x0  }
0xc2: {  	[sflag:s7] =	ssyncadd.s32 $0xFFFFC000  }
0xc3: {  	[tilespmem:s13], [sflag:$0x3] =	stream.indirect.gather [hbm4b:s3+s6], $0x80, s26, s6, $0xb8;
	[tilespmem:$0x10600] =	vst v63  }
0xc4: {  	_ =	swait.ge [sflag:s14], $0x4000  }
0xc5: {  	[sflag:s14] =	ssyncset.done $0x0  }
0xc6: {  	s0 =	rddreg [dreg:$0xd];
	[sflag:s14] =	ssyncadd.s32 $0xFFFFC000  }
0xc7: {  	[hbm4b:s0+s2] =	stream.linear.scatter [tilespmem:s13], [sflag:$0x7], $0x4000, $0x38;
	[tilespmem:$0x10600] =	vst v63  }
0xc8: {  	_ =	swait.ge [sflag:s9], $0x4000  }
0xc9: {  	[sflag:s9] =	ssyncset.done $0x0  }
0xca: {  	[sflag:s9] =	ssyncadd.s32 $0xFFFFC000  }
0xcb: {  	[tilespmem:s11], [sflag:$0x4] =	stream.indirect.gather [hbm4b:s3+s6], $0x80, s24, s6, $0xb8;
	[tilespmem:$0x10600] =	vst v63  }
0xcc: {  	_ =	swait.ge [sflag:s12], $0x4000  }
0xcd: {  	[sflag:s12] =	ssyncset.done $0x0  }
0xce: {  	s0 =	rddreg [dreg:$0xe];
	[sflag:s12] =	ssyncadd.s32 $0xFFFFC000  }
0xcf: {  	[hbm4b:s0+s2] =	stream.linear.scatter [tilespmem:s11], [sflag:$0x8], $0x4000, $0x38;
	[tilespmem:$0x10600] =	vst v63  }
0xd0: {  	_ =	swait.ge [sflag:s10], $0x4000  }
0xd1: {  	[sflag:s10] =	ssyncset.done $0x0  }
0xd2: {  	[sflag:s10] =	ssyncadd.s32 $0xFFFFC000  }
0xd3: {  	[tilespmem:s17], [sflag:$0x1] =	stream.indirect.gather [hbm4b:s3+s6], $0x80, s20, s6, $0xb8;
	[tilespmem:$0x10600] =	vst v63  }
0xd4: {  	_ =	swait.ge [sflag:s19], $0x4000  }
0xd5: {  	[sflag:s19] =	ssyncset.done $0x0  }
0xd6: {  	s0 =	rddreg [dreg:$0xf];
	[sflag:s19] =	ssyncadd.s32 $0xFFFFC000  }
0xd7: {  	[hbm4b:s0+s2] =	stream.linear.scatter [tilespmem:s17], [sflag:$0x5], $0x4000, $0x38;
	[tilespmem:$0x10600] =	vst v63  }
0xd8: {  	_ =	swait.ge [sflag:s8], $0x4000  }
0xd9: {  	[sflag:s8] =	ssyncset.done $0x0  }
0xda: {  	[sflag:s8] =	ssyncadd.s32 $0xFFFFC000  }
0xdb: {  	[tilespmem:s15], [sflag:$0x2] =	stream.indirect.gather [hbm4b:s3+s6], $0x80, s22, s6, $0xb8;
	[tilespmem:$0x10600] =	vst v63  }
0xdc: {  	_ =	swait.ge [sflag:s16], $0x4000  }
0xdd: {  	[sflag:s16] =	ssyncset.done $0x0  }
0xde: {  	s0 =	rddreg [dreg:$0x10];
	[sflag:s16] =	ssyncadd.s32 $0xFFFFC000  }
0xdf: {  	[hbm4b:s0+s2] =	stream.linear.scatter [tilespmem:s15], [sflag:$0x6], $0x4000, $0x38;
	[tilespmem:$0x10600] =	vst v63  }
0xe0: {  	_ =	swait.ge [sflag:s7], $0x4000  }
0xe1: {  	[sflag:s7] =	ssyncset.done $0x0  }
0xe2: {  	[sflag:s7] =	ssyncadd.s32 $0xFFFFC000  }
0xe3: {  	[tilespmem:s13], [sflag:$0x3] =	stream.indirect.gather [hbm4b:s3+s6], $0x80, s21, s6, $0xb8;
	[tilespmem:$0x10600] =	vst v63  }
0xe4: {  	_ =	swait.ge [sflag:s14], $0x4000  }
0xe5: {  	[sflag:s14] =	ssyncset.done $0x0  }
0xe6: {  	[sflag:s14] =	ssyncadd.s32 $0xFFFFC000  }
0xe7: {  	[hbm4b:s5+s2] =	stream.linear.scatter [tilespmem:s13], [sflag:$0x7], $0x4000, $0x38;
	[tilespmem:$0x10600] =	vst v63  }
0xe8: {  	_ =	swait.ge [sflag:s9], $0x4000  }
0xe9: {  	[sflag:s9] =	ssyncset.done $0x0  }
0xea: {  	[sflag:s9] =	ssyncadd.s32 $0xFFFFC000  }
0xeb: {  	[tilespmem:s11], [sflag:$0x4] =	stream.indirect.gather [hbm4b:s3+s6], $0x80, s18, s6, $0xb8;
	[tilespmem:$0x10600] =	vst v63  }
0xec: {  	_ =	swait.ge [sflag:s12], $0x4000  }
0xed: {  	[sflag:s12] =	ssyncset.done $0x0  }
0xee: {  	[sflag:s12] =	ssyncadd.s32 $0xFFFFC000  }
0xef: {  	[hbm4b:s4+s2] =	stream.linear.scatter [tilespmem:s11], [sflag:$0x8], $0x4000, $0x38;
	[tilespmem:$0x10600] =	vst v63  }
0xf0: {  	_ =	swait.ge [sflag:s10], $0x4000  }
0xf1: {  	[sflag:s10] =	ssyncset.done $0x0  }
0xf2: {  	[sflag:s10] =	ssyncadd.s32 $0xFFFFC000  }
0xf3: {  	_ =	swait.ge [sflag:s8], $0x4000  }
0xf4: {  	[sflag:s8] =	ssyncset.done $0x0  }
0xf5: {  	p1 =	sne.s32 s1, $0x1;
	[sflag:s8] =	ssyncadd.s32 $0xFFFFC000  }
.Ltmp2:
0xf6: {  	_ =	swait.ge [sflag:s7], $0x4000;
	(pc) =	sbr.rel @p1 .LBB2_2-.Ltmp2, $4  }
0xf7: {  	[sflag:s7] =	ssyncset.done $0x0  }
0xf8: {  	[sflag:s7] =	ssyncadd.s32 $0xFFFFC000  }
0xf9: {  	_ =	swait.ge [sflag:s9], $0x4000  }
0xfa: {  	s1 =	sadd.s32 $0xFFFFFFFF, s1;
	s0 =	rddreg [dreg:$0x4];
	[sflag:s9] =	ssyncset.done $0x0  }
.LBB2_3:
0xfb: {  	[sflag:s9] =	ssyncadd.s32 @p0 $0xFFFFC000  }
0xfc: {  	[tilespmem:s2], [sflag:$0x9] =	stream.linear.gather [hbm4b:s0+s2], $0x200, $0x38;
	[tilespmem:$0x10600] =	vst v63  }
0xfd: {  	_ =	swait.ge [sflag:s31], $0x200  }
0xfe: {  	[sflag:s31] =	ssyncset.done $0x0  }
0xff: {  	s1 =	rddreg [dreg:$0x5];
	[sflag:s31] =	ssyncadd.s32 $0xFFFFFE00  }
0x100: {  	[tilespmem:s25], [sflag:$0x9] =	stream.linear.gather [hbm4b:s1+s2], $0x200, $0x38;
	[tilespmem:$0x10600] =	vst v63  }
0x101: {  	_ =	swait.ge [sflag:s31], $0x200  }
0x102: {  	[sflag:s31] =	ssyncset.done $0x0  }
0x103: {  	s1 =	rddreg [dreg:$0x6];
	[sflag:s31] =	ssyncadd.s32 $0xFFFFFE00  }
0x104: {  	[tilespmem:s20], [sflag:$0x9] =	stream.linear.gather [hbm4b:s1+s2], $0x200, $0x38;
	[tilespmem:$0x10600] =	vst v63  }
0x105: {  	_ =	swait.ge [sflag:s31], $0x200  }
0x106: {  	[sflag:s31] =	ssyncset.done $0x0  }
0x107: {  	[sflag:s31] =	ssyncadd.s32 $0xFFFFFE00  }
0x108: {  	[tilespmem:s17], [sflag:$0x1] =	stream.indirect.gather [hbm4b:s23+s6], $0x80, s2, s6, $0xb8;
	[tilespmem:$0x10600] =	vst v63  }
0x109: {  	_ =	swait.ge [sflag:s19], $0x4000  }
0x10a: {  	[sflag:s19] =	ssyncset.done $0x0  }
0x10b: {  	s31 =	rddreg [dreg:$0x7];
	[sflag:s19] =	ssyncadd.s32 $0xFFFFC000  }
0x10c: {  	[hbm4b:s31+s2] =	stream.linear.scatter [tilespmem:s17], [sflag:$0x5], $0x4000, $0x38;
	[tilespmem:$0x10600] =	vst v63  }
0x10d: {  	_ = 	snop  }
0x10e: {  	[tilespmem:s15], [sflag:$0x2] =	stream.indirect.gather [hbm4b:s23+s6], $0x80, s6, s6, $0xb8;
	[tilespmem:$0x10600] =	vst v63  }
0x10f: {  	_ =	swait.ge [sflag:s16], $0x4000  }
0x110: {  	[sflag:s16] =	ssyncset.done $0x0  }
0x111: {  	s1 =	rddreg [dreg:$0x8];
	[sflag:s16] =	ssyncadd.s32 $0xFFFFC000  }
0x112: {  	[hbm4b:s1+s2] =	stream.linear.scatter [tilespmem:s15], [sflag:$0x6], $0x4000, $0x38;
	[tilespmem:$0x10600] =	vst v63  }
0x113: {  	_ = 	snop  }
0x114: {  	[tilespmem:s13], [sflag:$0x3] =	stream.indirect.gather [hbm4b:s23+s6], $0x80, s30, s6, $0xb8;
	[tilespmem:$0x10600] =	vst v63  }
0x115: {  	_ =	swait.ge [sflag:s14], $0x4000  }
0x116: {  	[sflag:s14] =	ssyncset.done $0x0  }
0x117: {  	s31 =	rddreg [dreg:$0x9];
	[sflag:s14] =	ssyncadd.s32 $0xFFFFC000  }
0x118: {  	[hbm4b:s31+s2] =	stream.linear.scatter [tilespmem:s13], [sflag:$0x7], $0x4000, $0x38;
	[tilespmem:$0x10600] =	vst v63  }
0x119: {  	_ = 	snop  }
0x11a: {  	[tilespmem:s11], [sflag:$0x4] =	stream.indirect.gather [hbm4b:s23+s6], $0x80, s29, s6, $0xb8;
	[tilespmem:$0x10600] =	vst v63  }
0x11b: {  	_ =	swait.ge [sflag:s12], $0x4000  }
0x11c: {  	[sflag:s12] =	ssyncset.done $0x0  }
0x11d: {  	s1 =	rddreg [dreg:$0xa];
	[sflag:s12] =	ssyncadd.s32 $0xFFFFC000  }
0x11e: {  	[hbm4b:s1+s2] =	stream.linear.scatter [tilespmem:s11], [sflag:$0x8], $0x4000, $0x38;
	[tilespmem:$0x10600] =	vst v63  }
0x11f: {  	_ =	swait.ge [sflag:s10], $0x4000  }
0x120: {  	[sflag:s10] =	ssyncset.done $0x0  }
0x121: {  	[sflag:s10] =	ssyncadd.s32 $0xFFFFC000  }
0x122: {  	[tilespmem:s17], [sflag:$0x1] =	stream.indirect.gather [hbm4b:s3+s6], $0x80, s25, s6, $0xb8;
	[tilespmem:$0x10600] =	vst v63  }
0x123: {  	_ =	swait.ge [sflag:s19], $0x4000  }
0x124: {  	[sflag:s19] =	ssyncset.done $0x0  }
0x125: {  	s23 =	rddreg [dreg:$0xb];
	[sflag:s19] =	ssyncadd.s32 $0xFFFFC000  }
0x126: {  	[hbm4b:s23+s2] =	stream.linear.scatter [tilespmem:s17], [sflag:$0x5], $0x4000, $0x38;
	[tilespmem:$0x10600] =	vst v63  }
0x127: {  	_ =	swait.ge [sflag:s8], $0x4000  }
0x128: {  	[sflag:s8] =	ssyncset.done $0x0  }
0x129: {  	[sflag:s8] =	ssyncadd.s32 $0xFFFFC000  }
0x12a: {  	[tilespmem:s15], [sflag:$0x2] =	stream.indirect.gather [hbm4b:s3+s6], $0x80, s28, s6, $0xb8;
	[tilespmem:$0x10600] =	vst v63  }
0x12b: {  	_ =	swait.ge [sflag:s16], $0x4000  }
0x12c: {  	[sflag:s16] =	ssyncset.done $0x0  }
0x12d: {  	s25 =	rddreg [dreg:$0xc];
	[sflag:s16] =	ssyncadd.s32 $0xFFFFC000  }
0x12e: {  	[hbm4b:s25+s2] =	stream.linear.scatter [tilespmem:s15], [sflag:$0x6], $0x4000, $0x38;
	[tilespmem:$0x10600] =	vst v63  }
0x12f: {  	_ =	swait.ge [sflag:s7], $0x4000  }
0x130: {  	[sflag:s7] =	ssyncset.done $0x0  }
0x131: {  	[sflag:s7] =	ssyncadd.s32 $0xFFFFC000  }
0x132: {  	[tilespmem:s13], [sflag:$0x3] =	stream.indirect.gather [hbm4b:s3+s6], $0x80, s26, s6, $0xb8;
	[tilespmem:$0x10600] =	vst v63  }
0x133: {  	_ =	swait.ge [sflag:s14], $0x4000  }
0x134: {  	[sflag:s14] =	ssyncset.done $0x0  }
0x135: {  	s26 =	rddreg [dreg:$0xd];
	[sflag:s14] =	ssyncadd.s32 $0xFFFFC000  }
0x136: {  	[hbm4b:s26+s2] =	stream.linear.scatter [tilespmem:s13], [sflag:$0x7], $0x4000, $0x38;
	[tilespmem:$0x10600] =	vst v63  }
0x137: {  	_ =	swait.ge [sflag:s9], $0x4000  }
0x138: {  	[sflag:s9] =	ssyncset.done $0x0  }
0x139: {  	[sflag:s9] =	ssyncadd.s32 $0xFFFFC000  }
0x13a: {  	[tilespmem:s11], [sflag:$0x4] =	stream.indirect.gather [hbm4b:s3+s6], $0x80, s24, s6, $0xb8;
	[tilespmem:$0x10600] =	vst v63  }
0x13b: {  	_ =	swait.ge [sflag:s12], $0x4000  }
0x13c: {  	[sflag:s12] =	ssyncset.done $0x0  }
0x13d: {  	s28 =	rddreg [dreg:$0xe];
	[sflag:s12] =	ssyncadd.s32 $0xFFFFC000  }
0x13e: {  	[hbm4b:s28+s2] =	stream.linear.scatter [tilespmem:s11], [sflag:$0x8], $0x4000, $0x38;
	[tilespmem:$0x10600] =	vst v63  }
0x13f: {  	_ =	swait.ge [sflag:s10], $0x4000  }
0x140: {  	[sflag:s10] =	ssyncset.done $0x0  }
0x141: {  	[sflag:s10] =	ssyncadd.s32 $0xFFFFC000  }
0x142: {  	[tilespmem:s17], [sflag:$0x1] =	stream.indirect.gather [hbm4b:s3+s6], $0x80, s20, s6, $0xb8;
	[tilespmem:$0x10600] =	vst v63  }
0x143: {  	_ =	swait.ge [sflag:s19], $0x4000  }
0x144: {  	[sflag:s19] =	ssyncset.done $0x0  }
0x145: {  	s29 =	rddreg [dreg:$0xf];
	[sflag:s19] =	ssyncadd.s32 $0xFFFFC000  }
0x146: {  	[hbm4b:s29+s2] =	stream.linear.scatter [tilespmem:s17], [sflag:$0x5], $0x4000, $0x38;
	[tilespmem:$0x10600] =	vst v63  }
0x147: {  	_ =	swait.ge [sflag:s8], $0x4000  }
0x148: {  	[sflag:s8] =	ssyncset.done $0x0  }
0x149: {  	[sflag:s8] =	ssyncadd.s32 $0xFFFFC000  }
0x14a: {  	[tilespmem:s15], [sflag:$0x2] =	stream.indirect.gather [hbm4b:s3+s6], $0x80, s22, s6, $0xb8;
	[tilespmem:$0x10600] =	vst v63  }
0x14b: {  	_ =	swait.ge [sflag:s16], $0x4000  }
0x14c: {  	[sflag:s16] =	ssyncset.done $0x0  }
0x14d: {  	s30 =	rddreg [dreg:$0x10];
	[sflag:s16] =	ssyncadd.s32 $0xFFFFC000  }
0x14e: {  	[hbm4b:s30+s2] =	stream.linear.scatter [tilespmem:s15], [sflag:$0x6], $0x4000, $0x38;
	[tilespmem:$0x10600] =	vst v63  }
0x14f: {  	_ =	swait.ge [sflag:s7], $0x4000  }
0x150: {  	[sflag:s7] =	ssyncset.done $0x0  }
0x151: {  	[sflag:s7] =	ssyncadd.s32 $0xFFFFC000  }
0x152: {  	[tilespmem:s13], [sflag:$0x3] =	stream.indirect.gather [hbm4b:s3+s6], $0x80, s21, s6, $0xb8;
	[tilespmem:$0x10600] =	vst v63  }
0x153: {  	_ =	swait.ge [sflag:s14], $0x4000  }
0x154: {  	[sflag:s14] =	ssyncset.done $0x0  }
0x155: {  	[sflag:s14] =	ssyncadd.s32 $0xFFFFC000  }
0x156: {  	[hbm4b:s5+s2] =	stream.linear.scatter [tilespmem:s13], [sflag:$0x7], $0x4000, $0x38;
	[tilespmem:$0x10600] =	vst v63  }
0x157: {  	_ =	swait.ge [sflag:s9], $0x4000  }
0x158: {  	[sflag:s9] =	ssyncset.done $0x0  }
0x159: {  	[sflag:s9] =	ssyncadd.s32 $0xFFFFC000  }
0x15a: {  	[tilespmem:s11], [sflag:$0x4] =	stream.indirect.gather [hbm4b:s3+s6], $0x80, s18, s6, $0xb8;
	[tilespmem:$0x10600] =	vst v63  }
0x15b: {  	_ =	swait.ge [sflag:s12], $0x4000  }
0x15c: {  	[sflag:s12] =	ssyncset.done $0x0  }
0x15d: {  	[sflag:s12] =	ssyncadd.s32 $0xFFFFC000  }
0x15e: {  	[hbm4b:s4+s2] =	stream.linear.scatter [tilespmem:s11], [sflag:$0x8], $0x4000, $0x38;
	[tilespmem:$0x10600] =	vst v63  }
0x15f: {  	_ =	swait.ge [sflag:s10], $0x4000  }
0x160: {  	[sflag:s10] =	ssyncset.done $0x0  }
0x161: {  	[sflag:s10] =	ssyncadd.s32 $0xFFFFC000  }
0x162: {  	_ =	swait.ge [sflag:s8], $0x4000  }
0x163: {  	[sflag:s8] =	ssyncset.done $0x0  }
0x164: {  	[sflag:s8] =	ssyncadd.s32 $0xFFFFC000  }
0x165: {  	_ =	swait.ge [sflag:s7], $0x4000  }
0x166: {  	[sflag:s7] =	ssyncset.done $0x0  }
0x167: {  	[sflag:s7] =	ssyncadd.s32 $0xFFFFC000  }
0x168: {  	_ =	swait.ge [sflag:s9], $0x4000  }
0x169: {  	[sflag:s9] =	ssyncset.done $0x0  }
0x16a: {  	[sflag:s9] =	ssyncadd.s32 $0xFFFFC000  }
0x16b: {  	_ =	sfence.sel $0x180000  }
0x16c: {  	[bflag:$0x0] =	sbarrier.arrive $0xFFFF  }
0x16d: {  	_ =	strace $0x90000047  }
0x16e: {  	s31 =	stileid.u32;
	[bflag:$0x2] =	sbarrier.arrive $0xFFFF  }
0x16f: {  	p0 =	sne.s32 s31, $0x0;
	s0 =	rddreg [dreg:$0x3]  }
0x170: {  	s0 =	sadd.s32 @!p0 $0x100000, s0  }
0x171: {  	[sflag:s0] =	ssyncadd.tile.s32 @!p0 $0x1;
	_ =	shalt  }
.Lfunc_end2:
_tile_overlayer_lowered:
.L_overlay_start_2:
0x172: {  	(tag) =	ssettag $0x2  }
0x173: {  	s0 =	rddreg [dreg:$0x0];
	s2 =	stileid.u32  }
0x174: {  	s1 =	rddreg [dreg:$0x1];
	p0 =	sne.s32 s2, $0x0  }
0x175: {  	s3 =	rddreg [dreg:$0x2];
	[bflag:$0x3] =	sbarrier.arrive $0xFFFF;
	s2 =	simm.s32 @!p0 $0x1C09  }
0x176: {  	[timem:s3], [sflag:s2] =	dma.local @!p0 [hbm:s0], s1  }
0x177: {  	s0 =	simm.s32 @!p0 $0x9  }
0x178: {  	_ =	swait.ge @!p0 [sflag:s0], s1  }
0x179: {  	s1 =	ssub.s32 @!p0 $0x0, s1;
	[sflag:s0] =	ssyncset.done @!p0 $0x0  }
0x17a: {  	[sflag:s0] =	ssyncadd.s32 @!p0 s1  }
0x17b: {  	[bflag:$0x3] =	sbarrier.arrive $0xFFFF  }
0x17c: {  	_ =	shalt  }

</sc_bundles>
